<compile_context>
chip_gen: v7x
topology: tpu7x:2x2x1
jax: 0.10.2.dev20260603
libtpu: 0.0.44.dev20260713+nightly
codegen_flags: <defaults>
</compile_context>

<pallas_src>
import functools

import jax
import jax.numpy as jnp
from jax import lax
from jax.experimental import pallas as pl
from jax.experimental.pallas import tpu as pltpu
from jax.experimental.pallas import tpu_sc as plsc

N_POS = 131072
N_BITS = 13
N_OUT = 128
RAM_SIZE = 1 << N_BITS

_HALF = N_OUT // 2
_NEUR_PER_TILE = _HALF // 16
_NEUR_GROUP = 2
_SUP = 1
_CHUNK = _SUP * 128


def _body(pos_hbm, ram_hbm, conn_hbm, out_hbm,
          conn_v, ram_row, buf2d, t_sh, idx_all, rows_v, rows_v2,
          sem_g, sem_g2, sem_w, sem_w2):
    cid = lax.axis_index("c")
    sid = lax.axis_index("s")
    lanes = lax.iota(jnp.int32, 16)

    n_base = cid * _HALF + sid * _NEUR_PER_TILE
    pltpu.sync_copy(conn_hbm.at[pl.ds(n_base, _NEUR_PER_TILE)], conn_v)

    _pre_base = sid * ((N_POS // 128) // 16)
    pltpu.async_copy(pos_hbm.at[pl.ds(_pre_base, 32)], idx_all, sem_g)

    def neuron_body(nk, carry):
        k = nk % _NEUR_GROUP
        n = n_base + nk
        pltpu.sync_copy(ram_hbm.at[n], ram_row)
        conn_vec = conn_v[nk]
        cs = [conn_vec[j] for j in range(N_BITS)]

        def sigma(p):
            a = jnp.zeros_like(p)
            for j in range(N_BITS):
                a = a + (((p >> (12 - cs[j])) & 1) << (12 - j))
            return a

        addr_lo = sigma(lanes)
        kvec = jnp.full((16,), k, jnp.int32)

        def group_body(g, c):
            hi_vec = sigma((lanes + g * 16) << 4)
            for l in range(16):
                idx = addr_lo + hi_vec[l]
                vals = plsc.load_gather(ram_row, [idx])
                rows = (g * 16 + l) * 16 + lanes
                plsc.store_scatter(buf2d, [rows, kvec], vals)
            return c
        lax.fori_loop(0, RAM_SIZE // 256, group_body, 0)
        return carry

    def pass_body(h, carry):
        lax.fori_loop(h * _NEUR_GROUP, (h + 1) * _NEUR_GROUP, neuron_body, 0)
        pltpu.sync_copy(
            buf2d,
            t_sh.at[:, pl.ds(sid * _NEUR_PER_TILE + h * _NEUR_GROUP, _NEUR_GROUP)])
        return carry

    lax.fori_loop(0, _NEUR_PER_TILE // _NEUR_GROUP, pass_body, 0)
    plsc.subcore_barrier()

    rows_per_tile = (N_POS // 128) // 16
    half_rows = rows_per_tile // 2
    chunks_per_half = half_rows // _SUP
    col0 = cid * _HALF
    base_row = sid * rows_per_tile
    rows_bufs = (rows_v, rows_v2)
    wb_sems = (sem_w, sem_w2)
    g_sems = (sem_g, sem_g2)

    def drain_wb(b):
        pltpu.make_async_copy(
            out_hbm.at[pl.ds(0, _CHUNK), pl.ds(0, _HALF)],
            rows_bufs[b], wb_sems[b]).wait()

    def fire_gather(lit, b):
        pltpu.async_copy(t_sh.at[idx_all.at[lit]], rows_bufs[b], g_sems[b])

    def wait_gather(b):
        pltpu.make_async_copy(
            t_sh.at[idx_all.at[0]], rows_bufs[b], g_sems[b]).wait()

    def finish_chunk(git, b):
        wait_gather(b)
        pltpu.async_copy(
            rows_bufs[b],
            out_hbm.at[pl.ds((base_row + git) * 128, _CHUNK),
                       pl.ds(col0, _HALF)],
            wb_sems[b])

    for hh in (0, 1):
        if hh == 0:
            pltpu.make_async_copy(
                pos_hbm.at[pl.ds(base_row, half_rows)], idx_all, sem_g).wait()
        else:
            pltpu.sync_copy(
                pos_hbm.at[pl.ds(base_row + hh * half_rows, half_rows)],
                idx_all)
        gbase = hh * chunks_per_half
        if hh == 1:
            drain_wb(0)
        fire_gather(0, 0)
        if hh == 1:
            drain_wb(1)
        fire_gather(1, 1)
        finish_chunk(gbase, 0)

        def steady(o, c, gbase=gbase):
            for j in (0, 1):
                lit = 1 + 2 * o + j
                b = (1 + j) % 2
                nxt = (b + 1) % 2
                drain_wb(nxt)
                fire_gather(lit + 1, nxt)
                finish_chunk(gbase + lit, b)
            return c

        lax.fori_loop(0, (chunks_per_half - 4) // 2, steady, 0)
        for lit in (chunks_per_half - 3, chunks_per_half - 2):
            b = lit % 2
            nxt = (b + 1) % 2
            drain_wb(nxt)
            fire_gather(lit + 1, nxt)
            finish_chunk(gbase + lit, b)
        finish_chunk(gbase + chunks_per_half - 1, (chunks_per_half - 1) % 2)

    drain_wb(0)
    drain_wb(1)


@jax.jit
def _sc_call(pos2, ram_memory, conn_flat):
    mesh = plsc.VectorSubcoreMesh(core_axis_name="c", subcore_axis_name="s")
    fn = pl.kernel(
        _body,
        out_type=jax.ShapeDtypeStruct((N_POS, N_OUT), jnp.float32),
        mesh=mesh,
        compiler_params=pltpu.CompilerParams(
            needs_layout_passes=False, use_tc_tiling_on_sc=False),
        scratch_types=[
            pltpu.VMEM((_NEUR_PER_TILE, 16), jnp.int32),
            pltpu.VMEM((RAM_SIZE,), jnp.float32),
            pltpu.VMEM((RAM_SIZE, _NEUR_GROUP), jnp.float32),
            pltpu.VMEM_SHARED((RAM_SIZE, _HALF), jnp.float32),
            pltpu.VMEM((32, 128), jnp.int32),
            pltpu.VMEM((_CHUNK, _HALF), jnp.float32),
            pltpu.VMEM((_CHUNK, _HALF), jnp.float32),
            pltpu.SemaphoreType.DMA,
            pltpu.SemaphoreType.DMA,
            pltpu.SemaphoreType.DMA,
            pltpu.SemaphoreType.DMA,
        ],
    )
    return fn(pos2, ram_memory, conn_flat)


def kernel(positions, ram_memory, conn_map):
    pos2 = positions.reshape(N_POS // 128, 128)
    conn_pad = jnp.pad(conn_map, ((0, 0), (0, 16 - N_BITS)))
    return _sc_call(pos2, ram_memory, conn_pad)

# --- scband reference (transcript-rebuilt; emitter-appended) ---
"""Pipeline reference for scband-learned-position-encoder-88776974008606 (READ-ONLY COPY).

The authoritative reference and input builder live on the scoring server;
editing this copy changes nothing except your own understanding.
"""

import jax, jax.numpy as jnp
import numpy as np

N_POS = 131072
MAX_SEQ_LEN = 8192
N_INPUT_BITS = 13
N_OUTPUT_BITS = 128
RAM_SIZE = 2 ** N_INPUT_BITS


def setup_inputs(seed: int = 0) -> dict:
    key = jax.random.key(seed)
    k1, k2 = jax.random.split(key, 2)
    # batched positions (original encode() takes one int at a time; we vectorize)
    positions = jax.random.randint(k1, (N_POS,), 0, MAX_SEQ_LEN, dtype=jnp.int32)
    # RAMLayer memory: one RAM of 2^n_input_bits cells per output neuron.
    # Original stores uint8 bits; we use float32 {0,1} so it is a learnable param.
    ram_memory = jax.random.bernoulli(k2, 0.5, (N_OUTPUT_BITS, RAM_SIZE)).astype(jnp.float32)
    # Per-neuron input connection map: with n_bits_per_neuron == total_input_bits,
    # each neuron sees a (seeded) permutation of all input bits (rng=0).
    rs = np.random.RandomState(0)
    conn_map = np.stack([rs.permutation(N_INPUT_BITS) for _ in range(N_OUTPUT_BITS)])
    conn_map = jnp.asarray(conn_map, dtype=jnp.int32)
    return {"positions": positions, "ram_memory": ram_memory, "conn_map": conn_map}


def reference(positions, ram_memory, conn_map):
    # BinaryPositionEncoder.encode: MSB-first binary bits of position
    shifts = jnp.arange(N_INPUT_BITS - 1, -1, -1, dtype=jnp.int32)
    bits = (positions[:, None] >> shifts[None, :]) & 1  # [N, n_input_bits]
    # RAMLayer forward: per-neuron address from its permuted bit view, then lookup
    addr = jnp.zeros((positions.shape[0], N_OUTPUT_BITS), dtype=jnp.int32)
    for j in range(N_INPUT_BITS):
        w = 1 << (N_INPUT_BITS - 1 - j)
        addr = addr + bits[:, conn_map[:, j]] * w  # [N, n_neurons]
    neuron_idx = jnp.arange(N_OUTPUT_BITS, dtype=jnp.int32)[None, :]
    out = ram_memory[neuron_idx, addr]  # gather: [N, n_output_bits]
    return out

if __name__ == "__main__":
    import jax
    _d = setup_inputs()
    print(jax.jit(kernel)(*tuple(_d.values())))

</pallas_src>

<mosaic_0001>
#map = affine_map<(d0, d1) -> (0, 0)>
module attributes {stable_mosaic.version = 14 : i64} {
  func.func @_body(%arg0: i32, %arg1: i32, %arg2: memref<1024x128xi32, #tpu.memory_space<hbm>>, %arg3: memref<128x8192xf32, #tpu.memory_space<hbm>>, %arg4: memref<128x16xi32, #tpu.memory_space<hbm>>, %arg5: memref<131072x128xf32, #tpu.memory_space<hbm>>, %arg6: memref<4x16xi32, #tpu.memory_space<vmem>>, %arg7: memref<8192xf32, #tpu.memory_space<vmem>>, %arg8: memref<8192x2xf32, #tpu.memory_space<vmem>>, %arg9: memref<8192x64xf32, #tpu.memory_space<vmem_shared>>, %arg10: memref<32x128xi32, #tpu.memory_space<vmem>>, %arg11: memref<128x64xf32, #tpu.memory_space<vmem>>, %arg12: memref<128x64xf32, #tpu.memory_space<vmem>>, %arg13: memref<!tpu.dma_semaphore, #tpu.memory_space<semaphore_mem>>, %arg14: memref<!tpu.dma_semaphore, #tpu.memory_space<semaphore_mem>>, %arg15: memref<!tpu.dma_semaphore, #tpu.memory_space<semaphore_mem>>, %arg16: memref<!tpu.dma_semaphore, #tpu.memory_space<semaphore_mem>>) attributes {dimension_semantics = [#tpu.dimension_semantics<core_parallel>, #tpu.dimension_semantics<subcore_parallel>], iteration_bounds = array<i64: 2, 16>, scalar_prefetch = 0 : i64, scratch_operands = 11 : i64, tpu.core_type = #tpu.core_type<sc_vector_subcore>, window_params = [{transform_indices = #map}, {transform_indices = #map}, {transform_indices = #map}, {transform_indices = #map}]} {
    %iota3A = tpu.iota {dimensions = array<i32: 0>} : vector<16xi32>
    %mul3A = arith.constant 64 : i32
    %mul3A_0 = arith.muli %arg0, %mul3A : i32
    %mul3A_1 = arith.constant 4 : i32
    %mul3A_2 = arith.muli %arg1, %mul3A_1 : i32
    %add3A = arith.addi %mul3A_0, %mul3A_2 : i32
    "tpu.region"() ({
      %run_scoped3A = tpu.sem_alloc : memref<!tpu.dma_semaphore, #tpu.memory_space<semaphore_mem>>
      %dma_start3A_242 = arith.constant 0 : i32
      %dma_start3A_243 = tpu.memref_slice %arg4[%add3A, %dma_start3A_242] : memref<128x16xi32, #tpu.memory_space<hbm>> -> memref<4x16xi32, #tpu.memory_space<hbm>>
      %dma_start3A_244 = arith.constant 0 : i32
      %dma_start3A_245 = tpu.memref_slice %arg4[%add3A, %dma_start3A_244] : memref<128x16xi32, #tpu.memory_space<hbm>> -> memref<4x16xi32, #tpu.memory_space<hbm>>
      tpu.enqueue_dma source(%dma_start3A_245 : memref<4x16xi32, #tpu.memory_space<hbm>>) target(%arg6 : memref<4x16xi32, #tpu.memory_space<vmem>>) target_semaphore(%run_scoped3A : memref<!tpu.dma_semaphore, #tpu.memory_space<semaphore_mem>>)
      %dma_wait3A_246 = arith.constant 0 : i32
      %dma_wait3A_247 = tpu.memref_slice %arg4[%add3A, %dma_wait3A_246] : memref<128x16xi32, #tpu.memory_space<hbm>> -> memref<4x16xi32, #tpu.memory_space<hbm>>
      %dma_wait3A_248 = arith.constant 0 : i32
      %dma_wait3A_249 = tpu.memref_slice %arg4[%add3A, %dma_wait3A_248] : memref<128x16xi32, #tpu.memory_space<hbm>> -> memref<4x16xi32, #tpu.memory_space<hbm>>
      tpu.wait_dma2 semaphore(%run_scoped3A : memref<!tpu.dma_semaphore, #tpu.memory_space<semaphore_mem>>) src(%dma_wait3A_249 : memref<4x16xi32, #tpu.memory_space<hbm>>) dst(%arg6 : memref<4x16xi32, #tpu.memory_space<vmem>>)
      tpu.yield
    }) : () -> ()
    %mul3A_3 = arith.constant 64 : i32
    %mul3A_4 = arith.muli %arg1, %mul3A_3 : i32
    %dma_start3A = arith.constant 0 : i32
    %dma_start3A_5 = tpu.memref_slice %arg2[%mul3A_4, %dma_start3A] : memref<1024x128xi32, #tpu.memory_space<hbm>> -> memref<32x128xi32, #tpu.memory_space<hbm>>
    %dma_start3A_6 = arith.constant 0 : i32
    %dma_start3A_7 = tpu.memref_slice %arg2[%mul3A_4, %dma_start3A_6] : memref<1024x128xi32, #tpu.memory_space<hbm>> -> memref<32x128xi32, #tpu.memory_space<hbm>>
    tpu.enqueue_dma source(%dma_start3A_7 : memref<32x128xi32, #tpu.memory_space<hbm>>) target(%arg10 : memref<32x128xi32, #tpu.memory_space<vmem>>) target_semaphore(%arg13 : memref<!tpu.dma_semaphore, #tpu.memory_space<semaphore_mem>>)
    %scan3A = arith.constant 0 : i32
    %scan3A_8 = arith.constant 0 : i32
    %scan3A_9 = arith.constant 2 : i32
    %scan3A_10 = arith.addi %scan3A_8, %scan3A_9 : i32
    %scan3A_11 = arith.constant 1 : i32
    scf.for %scan3A_242 = %scan3A_8 to %scan3A_10 step %scan3A_11  : i32 {
      %mul3A_243 = arith.constant 2 : i32
      %mul3A_244 = arith.muli %scan3A_242, %mul3A_243 : i32
      %add3A_245 = arith.constant 1 : i32
      %add3A_246 = arith.addi %scan3A_242, %add3A_245 : i32
      %mul3A_247 = arith.constant 2 : i32
      %mul3A_248 = arith.muli %add3A_246, %mul3A_247 : i32
      %while3A = arith.constant 0 : i32
      %while3A_249 = arith.subi %mul3A_248, %mul3A_244 : i32
      %while3A_250 = arith.addi %mul3A_244, %while3A_249 : i32
      %while3A_251 = arith.constant 1 : i32
      %while3A_252 = arith.divsi %while3A_249, %while3A_251 : i32
      %while3A_253 = arith.muli %while3A_252, %while3A_251 : i32
      %while3A_254 = arith.addi %mul3A_244, %while3A_253 : i32
      %while3A_255 = arith.constant 1 : i32
      scf.for %while3A_262 = %mul3A_244 to %while3A_254 step %while3A_255  : i32 {
        %jit3A = arith.constant 2 : i32
        %eq3A = arith.constant 0 : i32
        %eq3A_263 = arith.cmpi eq, %jit3A, %eq3A : i32
        %jit3A_264 = arith.constant 1 : i32
        %select_n3A = arith.select %eq3A_263, %jit3A_264, %jit3A : i32
        %rem3A = arith.remsi %while3A_262, %select_n3A : i32
        %ne3A = arith.constant 0 : i32
        %ne3A_265 = arith.cmpi ne, %rem3A, %ne3A : i32
        %lt3A = arith.constant 0 : i32
        %lt3A_266 = arith.cmpi slt, %rem3A, %lt3A : i32
        %lt3A_267 = arith.constant 0 : i32
        %lt3A_268 = arith.cmpi slt, %select_n3A, %lt3A_267 : i32
        %ne3A_269 = arith.xori %lt3A_266, %lt3A_268 : i1
        %and3A = arith.andi %ne3A_269, %ne3A_265 : i1
        %add3A_270 = arith.addi %rem3A, %select_n3A : i32
        %select_n3A_271 = arith.select %and3A, %add3A_270, %rem3A : i32
        %add3A_272 = arith.addi %add3A, %while3A_262 : i32
        "tpu.region"() ({
          %run_scoped3A = tpu.sem_alloc : memref<!tpu.dma_semaphore, #tpu.memory_space<semaphore_mem>>
          %dma_start3A_447 = arith.constant 0 : i32
          %dma_start3A_448 = tpu.memref_slice %arg3[%add3A_272, %dma_start3A_447] : memref<128x8192xf32, #tpu.memory_space<hbm>> -> memref<1x8192xf32, #tpu.memory_space<hbm>>
          %dma_start3A_449 = tpu.memref_squeeze %dma_start3A_448 : memref<1x8192xf32, #tpu.memory_space<hbm>> -> memref<8192xf32, #tpu.memory_space<hbm>>
          %dma_start3A_450 = arith.constant 0 : i32
          %dma_start3A_451 = tpu.memref_slice %arg3[%add3A_272, %dma_start3A_450] : memref<128x8192xf32, #tpu.memory_space<hbm>> -> memref<1x8192xf32, #tpu.memory_space<hbm>>
          %dma_start3A_452 = tpu.memref_squeeze %dma_start3A_451 : memref<1x8192xf32, #tpu.memory_space<hbm>> -> memref<8192xf32, #tpu.memory_space<hbm>>
          tpu.enqueue_dma source(%dma_start3A_452 : memref<8192xf32, #tpu.memory_space<hbm>>) target(%arg7 : memref<8192xf32, #tpu.memory_space<vmem>>) target_semaphore(%run_scoped3A : memref<!tpu.dma_semaphore, #tpu.memory_space<semaphore_mem>>)
          %dma_wait3A_453 = arith.constant 0 : i32
          %dma_wait3A_454 = tpu.memref_slice %arg3[%add3A_272, %dma_wait3A_453] : memref<128x8192xf32, #tpu.memory_space<hbm>> -> memref<1x8192xf32, #tpu.memory_space<hbm>>
          %dma_wait3A_455 = tpu.memref_squeeze %dma_wait3A_454 : memref<1x8192xf32, #tpu.memory_space<hbm>> -> memref<8192xf32, #tpu.memory_space<hbm>>
          %dma_wait3A_456 = arith.constant 0 : i32
          %dma_wait3A_457 = tpu.memref_slice %arg3[%add3A_272, %dma_wait3A_456] : memref<128x8192xf32, #tpu.memory_space<hbm>> -> memref<1x8192xf32, #tpu.memory_space<hbm>>
          %dma_wait3A_458 = tpu.memref_squeeze %dma_wait3A_457 : memref<1x8192xf32, #tpu.memory_space<hbm>> -> memref<8192xf32, #tpu.memory_space<hbm>>
          tpu.wait_dma2 semaphore(%run_scoped3A : memref<!tpu.dma_semaphore, #tpu.memory_space<semaphore_mem>>) src(%dma_wait3A_458 : memref<8192xf32, #tpu.memory_space<hbm>>) dst(%arg7 : memref<8192xf32, #tpu.memory_space<vmem>>)
          tpu.yield
        }) : () -> ()
        %get3A = arith.index_cast %while3A_262 : i32 to index
        %get3A_273 = arith.constant 0 : index
        %get3A_274 = tpu.vector_load %arg6[%get3A, %get3A_273] {strides = array<i32>} : memref<4x16xi32, #tpu.memory_space<vmem>>, vector<16xi32>,
        %slice3A = vector.extract_strided_slice %get3A_274 {offsets = [0], sizes = [1], strides = [1]} : vector<16xi32> to vector<1xi32>
        %squeeze3A = vector.extract %slice3A[0] : i32 from vector<1xi32>
        %slice3A_275 = vector.extract_strided_slice %get3A_274 {offsets = [1], sizes = [1], strides = [1]} : vector<16xi32> to vector<1xi32>
        %squeeze3A_276 = vector.extract %slice3A_275[0] : i32 from vector<1xi32>
        %slice3A_277 = vector.extract_strided_slice %get3A_274 {offsets = [2], sizes = [1], strides = [1]} : vector<16xi32> to vector<1xi32>
        %squeeze3A_278 = vector.extract %slice3A_277[0] : i32 from vector<1xi32>
        %slice3A_279 = vector.extract_strided_slice %get3A_274 {offsets = [3], sizes = [1], strides = [1]} : vector<16xi32> to vector<1xi32>
        %squeeze3A_280 = vector.extract %slice3A_279[0] : i32 from vector<1xi32>
        %slice3A_281 = vector.extract_strided_slice %get3A_274 {offsets = [4], sizes = [1], strides = [1]} : vector<16xi32> to vector<1xi32>
        %squeeze3A_282 = vector.extract %slice3A_281[0] : i32 from vector<1xi32>
        %slice3A_283 = vector.extract_strided_slice %get3A_274 {offsets = [5], sizes = [1], strides = [1]} : vector<16xi32> to vector<1xi32>
        %squeeze3A_284 = vector.extract %slice3A_283[0] : i32 from vector<1xi32>
        %slice3A_285 = vector.extract_strided_slice %get3A_274 {offsets = [6], sizes = [1], strides = [1]} : vector<16xi32> to vector<1xi32>
        %squeeze3A_286 = vector.extract %slice3A_285[0] : i32 from vector<1xi32>
        %slice3A_287 = vector.extract_strided_slice %get3A_274 {offsets = [7], sizes = [1], strides = [1]} : vector<16xi32> to vector<1xi32>
        %squeeze3A_288 = vector.extract %slice3A_287[0] : i32 from vector<1xi32>
        %slice3A_289 = vector.extract_strided_slice %get3A_274 {offsets = [8], sizes = [1], strides = [1]} : vector<16xi32> to vector<1xi32>
        %squeeze3A_290 = vector.extract %slice3A_289[0] : i32 from vector<1xi32>
        %slice3A_291 = vector.extract_strided_slice %get3A_274 {offsets = [9], sizes = [1], strides = [1]} : vector<16xi32> to vector<1xi32>
        %squeeze3A_292 = vector.extract %slice3A_291[0] : i32 from vector<1xi32>
        %slice3A_293 = vector.extract_strided_slice %get3A_274 {offsets = [10], sizes = [1], strides = [1]} : vector<16xi32> to vector<1xi32>
        %squeeze3A_294 = vector.extract %slice3A_293[0] : i32 from vector<1xi32>
        %slice3A_295 = vector.extract_strided_slice %get3A_274 {offsets = [11], sizes = [1], strides = [1]} : vector<16xi32> to vector<1xi32>
        %squeeze3A_296 = vector.extract %slice3A_295[0] : i32 from vector<1xi32>
        %slice3A_297 = vector.extract_strided_slice %get3A_274 {offsets = [12], sizes = [1], strides = [1]} : vector<16xi32> to vector<1xi32>
        %squeeze3A_298 = vector.extract %slice3A_297[0] : i32 from vector<1xi32>
        %broadcast_in_dim3A = arith.constant 0 : i32
        %broadcast_in_dim3A_299 = vector.broadcast %broadcast_in_dim3A : i32 to vector<16xi32>
        %sub3A = arith.constant 12 : i32
        %sub3A_300 = arith.subi %sub3A, %squeeze3A : i32
        %shift_right_arithmetic3A = vector.broadcast %sub3A_300 : i32 to vector<16xi32>
        %shift_right_arithmetic3A_301 = arith.shrsi %iota3A, %shift_right_arithmetic3A : vector<16xi32>
        %and3A_302 = arith.constant 1 : i32
        %and3A_303 = vector.broadcast %and3A_302 : i32 to vector<16xi32>
        %and3A_304 = arith.andi %shift_right_arithmetic3A_301, %and3A_303 : vector<16xi32>
        %shift_left3A = arith.constant 12 : i32
        %shift_left3A_305 = vector.broadcast %shift_left3A : i32 to vector<16xi32>
        %shift_left3A_306 = arith.shli %and3A_304, %shift_left3A_305 : vector<16xi32>
        %add3A_307 = arith.addi %broadcast_in_dim3A_299, %shift_left3A_306 : vector<16xi32>
        %sub3A_308 = arith.constant 12 : i32
        %sub3A_309 = arith.subi %sub3A_308, %squeeze3A_276 : i32
        %shift_right_arithmetic3A_310 = vector.broadcast %sub3A_309 : i32 to vector<16xi32>
        %shift_right_arithmetic3A_311 = arith.shrsi %iota3A, %shift_right_arithmetic3A_310 : vector<16xi32>
        %and3A_312 = arith.constant 1 : i32
        %and3A_313 = vector.broadcast %and3A_312 : i32 to vector<16xi32>
        %and3A_314 = arith.andi %shift_right_arithmetic3A_311, %and3A_313 : vector<16xi32>
        %shift_left3A_315 = arith.constant 11 : i32
        %shift_left3A_316 = vector.broadcast %shift_left3A_315 : i32 to vector<16xi32>
        %shift_left3A_317 = arith.shli %and3A_314, %shift_left3A_316 : vector<16xi32>
        %add3A_318 = arith.addi %add3A_307, %shift_left3A_317 : vector<16xi32>
        %sub3A_319 = arith.constant 12 : i32
        %sub3A_320 = arith.subi %sub3A_319, %squeeze3A_278 : i32
        %shift_right_arithmetic3A_321 = vector.broadcast %sub3A_320 : i32 to vector<16xi32>
        %shift_right_arithmetic3A_322 = arith.shrsi %iota3A, %shift_right_arithmetic3A_321 : vector<16xi32>
        %and3A_323 = arith.constant 1 : i32
        %and3A_324 = vector.broadcast %and3A_323 : i32 to vector<16xi32>
        %and3A_325 = arith.andi %shift_right_arithmetic3A_322, %and3A_324 : vector<16xi32>
        %shift_left3A_326 = arith.constant 10 : i32
        %shift_left3A_327 = vector.broadcast %shift_left3A_326 : i32 to vector<16xi32>
        %shift_left3A_328 = arith.shli %and3A_325, %shift_left3A_327 : vector<16xi32>
        %add3A_329 = arith.addi %add3A_318, %shift_left3A_328 : vector<16xi32>
        %sub3A_330 = arith.constant 12 : i32
        %sub3A_331 = arith.subi %sub3A_330, %squeeze3A_280 : i32
        %shift_right_arithmetic3A_332 = vector.broadcast %sub3A_331 : i32 to vector<16xi32>
        %shift_right_arithmetic3A_333 = arith.shrsi %iota3A, %shift_right_arithmetic3A_332 : vector<16xi32>
        %and3A_334 = arith.constant 1 : i32
        %and3A_335 = vector.broadcast %and3A_334 : i32 to vector<16xi32>
        %and3A_336 = arith.andi %shift_right_arithmetic3A_333, %and3A_335 : vector<16xi32>
        %shift_left3A_337 = arith.constant 9 : i32
        %shift_left3A_338 = vector.broadcast %shift_left3A_337 : i32 to vector<16xi32>
        %shift_left3A_339 = arith.shli %and3A_336, %shift_left3A_338 : vector<16xi32>
        %add3A_340 = arith.addi %add3A_329, %shift_left3A_339 : vector<16xi32>
        %sub3A_341 = arith.constant 12 : i32
        %sub3A_342 = arith.subi %sub3A_341, %squeeze3A_282 : i32
        %shift_right_arithmetic3A_343 = vector.broadcast %sub3A_342 : i32 to vector<16xi32>
        %shift_right_arithmetic3A_344 = arith.shrsi %iota3A, %shift_right_arithmetic3A_343 : vector<16xi32>
        %and3A_345 = arith.constant 1 : i32
        %and3A_346 = vector.broadcast %and3A_345 : i32 to vector<16xi32>
        %and3A_347 = arith.andi %shift_right_arithmetic3A_344, %and3A_346 : vector<16xi32>
        %shift_left3A_348 = arith.constant 8 : i32
        %shift_left3A_349 = vector.broadcast %shift_left3A_348 : i32 to vector<16xi32>
        %shift_left3A_350 = arith.shli %and3A_347, %shift_left3A_349 : vector<16xi32>
        %add3A_351 = arith.addi %add3A_340, %shift_left3A_350 : vector<16xi32>
        %sub3A_352 = arith.constant 12 : i32
        %sub3A_353 = arith.subi %sub3A_352, %squeeze3A_284 : i32
        %shift_right_arithmetic3A_354 = vector.broadcast %sub3A_353 : i32 to vector<16xi32>
        %shift_right_arithmetic3A_355 = arith.shrsi %iota3A, %shift_right_arithmetic3A_354 : vector<16xi32>
        %and3A_356 = arith.constant 1 : i32
        %and3A_357 = vector.broadcast %and3A_356 : i32 to vector<16xi32>
        %and3A_358 = arith.andi %shift_right_arithmetic3A_355, %and3A_357 : vector<16xi32>
        %shift_left3A_359 = arith.constant 7 : i32
        %shift_left3A_360 = vector.broadcast %shift_left3A_359 : i32 to vector<16xi32>
        %shift_left3A_361 = arith.shli %and3A_358, %shift_left3A_360 : vector<16xi32>
        %add3A_362 = arith.addi %add3A_351, %shift_left3A_361 : vector<16xi32>
        %sub3A_363 = arith.constant 12 : i32
        %sub3A_364 = arith.subi %sub3A_363, %squeeze3A_286 : i32
        %shift_right_arithmetic3A_365 = vector.broadcast %sub3A_364 : i32 to vector<16xi32>
        %shift_right_arithmetic3A_366 = arith.shrsi %iota3A, %shift_right_arithmetic3A_365 : vector<16xi32>
        %and3A_367 = arith.constant 1 : i32
        %and3A_368 = vector.broadcast %and3A_367 : i32 to vector<16xi32>
        %and3A_369 = arith.andi %shift_right_arithmetic3A_366, %and3A_368 : vector<16xi32>
        %shift_left3A_370 = arith.constant 6 : i32
        %shift_left3A_371 = vector.broadcast %shift_left3A_370 : i32 to vector<16xi32>
        %shift_left3A_372 = arith.shli %and3A_369, %shift_left3A_371 : vector<16xi32>
        %add3A_373 = arith.addi %add3A_362, %shift_left3A_372 : vector<16xi32>
        %sub3A_374 = arith.constant 12 : i32
        %sub3A_375 = arith.subi %sub3A_374, %squeeze3A_288 : i32
        %shift_right_arithmetic3A_376 = vector.broadcast %sub3A_375 : i32 to vector<16xi32>
        %shift_right_arithmetic3A_377 = arith.shrsi %iota3A, %shift_right_arithmetic3A_376 : vector<16xi32>
        %and3A_378 = arith.constant 1 : i32
        %and3A_379 = vector.broadcast %and3A_378 : i32 to vector<16xi32>
        %and3A_380 = arith.andi %shift_right_arithmetic3A_377, %and3A_379 : vector<16xi32>
        %shift_left3A_381 = arith.constant 5 : i32
        %shift_left3A_382 = vector.broadcast %shift_left3A_381 : i32 to vector<16xi32>
        %shift_left3A_383 = arith.shli %and3A_380, %shift_left3A_382 : vector<16xi32>
        %add3A_384 = arith.addi %add3A_373, %shift_left3A_383 : vector<16xi32>
        %sub3A_385 = arith.constant 12 : i32
        %sub3A_386 = arith.subi %sub3A_385, %squeeze3A_290 : i32
        %shift_right_arithmetic3A_387 = vector.broadcast %sub3A_386 : i32 to vector<16xi32>
        %shift_right_arithmetic3A_388 = arith.shrsi %iota3A, %shift_right_arithmetic3A_387 : vector<16xi32>
        %and3A_389 = arith.constant 1 : i32
        %and3A_390 = vector.broadcast %and3A_389 : i32 to vector<16xi32>
        %and3A_391 = arith.andi %shift_right_arithmetic3A_388, %and3A_390 : vector<16xi32>
        %shift_left3A_392 = arith.constant 4 : i32
        %shift_left3A_393 = vector.broadcast %shift_left3A_392 : i32 to vector<16xi32>
        %shift_left3A_394 = arith.shli %and3A_391, %shift_left3A_393 : vector<16xi32>
        %add3A_395 = arith.addi %add3A_384, %shift_left3A_394 : vector<16xi32>
        %sub3A_396 = arith.constant 12 : i32
        %sub3A_397 = arith.subi %sub3A_396, %squeeze3A_292 : i32
        %shift_right_arithmetic3A_398 = vector.broadcast %sub3A_397 : i32 to vector<16xi32>
        %shift_right_arithmetic3A_399 = arith.shrsi %iota3A, %shift_right_arithmetic3A_398 : vector<16xi32>
        %and3A_400 = arith.constant 1 : i32
        %and3A_401 = vector.broadcast %and3A_400 : i32 to vector<16xi32>
        %and3A_402 = arith.andi %shift_right_arithmetic3A_399, %and3A_401 : vector<16xi32>
        %shift_left3A_403 = arith.constant 3 : i32
        %shift_left3A_404 = vector.broadcast %shift_left3A_403 : i32 to vector<16xi32>
        %shift_left3A_405 = arith.shli %and3A_402, %shift_left3A_404 : vector<16xi32>
        %add3A_406 = arith.addi %add3A_395, %shift_left3A_405 : vector<16xi32>
        %sub3A_407 = arith.constant 12 : i32
        %sub3A_408 = arith.subi %sub3A_407, %squeeze3A_294 : i32
        %shift_right_arithmetic3A_409 = vector.broadcast %sub3A_408 : i32 to vector<16xi32>
        %shift_right_arithmetic3A_410 = arith.shrsi %iota3A, %shift_right_arithmetic3A_409 : vector<16xi32>
        %and3A_411 = arith.constant 1 : i32
        %and3A_412 = vector.broadcast %and3A_411 : i32 to vector<16xi32>
        %and3A_413 = arith.andi %shift_right_arithmetic3A_410, %and3A_412 : vector<16xi32>
        %shift_left3A_414 = arith.constant 2 : i32
        %shift_left3A_415 = vector.broadcast %shift_left3A_414 : i32 to vector<16xi32>
        %shift_left3A_416 = arith.shli %and3A_413, %shift_left3A_415 : vector<16xi32>
        %add3A_417 = arith.addi %add3A_406, %shift_left3A_416 : vector<16xi32>
        %sub3A_418 = arith.constant 12 : i32
        %sub3A_419 = arith.subi %sub3A_418, %squeeze3A_296 : i32
        %shift_right_arithmetic3A_420 = vector.broadcast %sub3A_419 : i32 to vector<16xi32>
        %shift_right_arithmetic3A_421 = arith.shrsi %iota3A, %shift_right_arithmetic3A_420 : vector<16xi32>
        %and3A_422 = arith.constant 1 : i32
        %and3A_423 = vector.broadcast %and3A_422 : i32 to vector<16xi32>
        %and3A_424 = arith.andi %shift_right_arithmetic3A_421, %and3A_423 : vector<16xi32>
        %shift_left3A_425 = arith.constant 1 : i32
        %shift_left3A_426 = vector.broadcast %shift_left3A_425 : i32 to vector<16xi32>
        %shift_left3A_427 = arith.shli %and3A_424, %shift_left3A_426 : vector<16xi32>
        %add3A_428 = arith.addi %add3A_417, %shift_left3A_427 : vector<16xi32>
        %sub3A_429 = arith.constant 12 : i32
        %sub3A_430 = arith.subi %sub3A_429, %squeeze3A_298 : i32
        %shift_right_arithmetic3A_431 = vector.broadcast %sub3A_430 : i32 to vector<16xi32>
        %shift_right_arithmetic3A_432 = arith.shrsi %iota3A, %shift_right_arithmetic3A_431 : vector<16xi32>
        %and3A_433 = arith.constant 1 : i32
        %and3A_434 = vector.broadcast %and3A_433 : i32 to vector<16xi32>
        %and3A_435 = arith.andi %shift_right_arithmetic3A_432, %and3A_434 : vector<16xi32>
        %shift_left3A_436 = arith.constant 0 : i32
        %shift_left3A_437 = vector.broadcast %shift_left3A_436 : i32 to vector<16xi32>
        %shift_left3A_438 = arith.shli %and3A_435, %shift_left3A_437 : vector<16xi32>
        %add3A_439 = arith.addi %add3A_428, %shift_left3A_438 : vector<16xi32>
        %broadcast_in_dim3A_440 = vector.broadcast %select_n3A_271 : i32 to vector<16xi32>
        %scan3A_441 = arith.constant 0 : i32
        %scan3A_442 = arith.constant 0 : i32
        %scan3A_443 = arith.constant 32 : i32
        %scan3A_444 = arith.addi %scan3A_442, %scan3A_443 : i32
        %scan3A_445 = arith.constant 1 : i32
        scf.for %scan3A_447 = %scan3A_442 to %scan3A_444 step %scan3A_445  : i32 {
          %mul3A_448 = arith.constant 16 : i32
          %mul3A_449 = arith.muli %scan3A_447, %mul3A_448 : i32
          %add3A_450 = vector.broadcast %mul3A_449 : i32 to vector<16xi32>
          %add3A_451 = arith.addi %iota3A, %add3A_450 : vector<16xi32>
          %shift_left3A_452 = arith.constant 4 : i32
          %shift_left3A_453 = vector.broadcast %shift_left3A_452 : i32 to vector<16xi32>
          %shift_left3A_454 = arith.shli %add3A_451, %shift_left3A_453 : vector<16xi32>
          %broadcast_in_dim3A_455 = arith.constant 0 : i32
          %broadcast_in_dim3A_456 = vector.broadcast %broadcast_in_dim3A_455 : i32 to vector<16xi32>
          %sub3A_457 = arith.constant 12 : i32
          %sub3A_458 = arith.subi %sub3A_457, %squeeze3A : i32
          %shift_right_arithmetic3A_459 = vector.broadcast %sub3A_458 : i32 to vector<16xi32>
          %shift_right_arithmetic3A_460 = arith.shrsi %shift_left3A_454, %shift_right_arithmetic3A_459 : vector<16xi32>
          %and3A_461 = arith.constant 1 : i32
          %and3A_462 = vector.broadcast %and3A_461 : i32 to vector<16xi32>
          %and3A_463 = arith.andi %shift_right_arithmetic3A_460, %and3A_462 : vector<16xi32>
          %shift_left3A_464 = arith.constant 12 : i32
          %shift_left3A_465 = vector.broadcast %shift_left3A_464 : i32 to vector<16xi32>
          %shift_left3A_466 = arith.shli %and3A_463, %shift_left3A_465 : vector<16xi32>
          %add3A_467 = arith.addi %broadcast_in_dim3A_456, %shift_left3A_466 : vector<16xi32>
          %sub3A_468 = arith.constant 12 : i32
          %sub3A_469 = arith.subi %sub3A_468, %squeeze3A_276 : i32
          %shift_right_arithmetic3A_470 = vector.broadcast %sub3A_469 : i32 to vector<16xi32>
          %shift_right_arithmetic3A_471 = arith.shrsi %shift_left3A_454, %shift_right_arithmetic3A_470 : vector<16xi32>
          %and3A_472 = arith.constant 1 : i32
          %and3A_473 = vector.broadcast %and3A_472 : i32 to vector<16xi32>
          %and3A_474 = arith.andi %shift_right_arithmetic3A_471, %and3A_473 : vector<16xi32>
          %shift_left3A_475 = arith.constant 11 : i32
          %shift_left3A_476 = vector.broadcast %shift_left3A_475 : i32 to vector<16xi32>
          %shift_left3A_477 = arith.shli %and3A_474, %shift_left3A_476 : vector<16xi32>
          %add3A_478 = arith.addi %add3A_467, %shift_left3A_477 : vector<16xi32>
          %sub3A_479 = arith.constant 12 : i32
          %sub3A_480 = arith.subi %sub3A_479, %squeeze3A_278 : i32
          %shift_right_arithmetic3A_481 = vector.broadcast %sub3A_480 : i32 to vector<16xi32>
          %shift_right_arithmetic3A_482 = arith.shrsi %shift_left3A_454, %shift_right_arithmetic3A_481 : vector<16xi32>
          %and3A_483 = arith.constant 1 : i32
          %and3A_484 = vector.broadcast %and3A_483 : i32 to vector<16xi32>
          %and3A_485 = arith.andi %shift_right_arithmetic3A_482, %and3A_484 : vector<16xi32>
          %shift_left3A_486 = arith.constant 10 : i32
          %shift_left3A_487 = vector.broadcast %shift_left3A_486 : i32 to vector<16xi32>
          %shift_left3A_488 = arith.shli %and3A_485, %shift_left3A_487 : vector<16xi32>
          %add3A_489 = arith.addi %add3A_478, %shift_left3A_488 : vector<16xi32>
          %sub3A_490 = arith.constant 12 : i32
          %sub3A_491 = arith.subi %sub3A_490, %squeeze3A_280 : i32
          %shift_right_arithmetic3A_492 = vector.broadcast %sub3A_491 : i32 to vector<16xi32>
          %shift_right_arithmetic3A_493 = arith.shrsi %shift_left3A_454, %shift_right_arithmetic3A_492 : vector<16xi32>
          %and3A_494 = arith.constant 1 : i32
          %and3A_495 = vector.broadcast %and3A_494 : i32 to vector<16xi32>
          %and3A_496 = arith.andi %shift_right_arithmetic3A_493, %and3A_495 : vector<16xi32>
          %shift_left3A_497 = arith.constant 9 : i32
          %shift_left3A_498 = vector.broadcast %shift_left3A_497 : i32 to vector<16xi32>
          %shift_left3A_499 = arith.shli %and3A_496, %shift_left3A_498 : vector<16xi32>
          %add3A_500 = arith.addi %add3A_489, %shift_left3A_499 : vector<16xi32>
          %sub3A_501 = arith.constant 12 : i32
          %sub3A_502 = arith.subi %sub3A_501, %squeeze3A_282 : i32
          %shift_right_arithmetic3A_503 = vector.broadcast %sub3A_502 : i32 to vector<16xi32>
          %shift_right_arithmetic3A_504 = arith.shrsi %shift_left3A_454, %shift_right_arithmetic3A_503 : vector<16xi32>
          %and3A_505 = arith.constant 1 : i32
          %and3A_506 = vector.broadcast %and3A_505 : i32 to vector<16xi32>
          %and3A_507 = arith.andi %shift_right_arithmetic3A_504, %and3A_506 : vector<16xi32>
          %shift_left3A_508 = arith.constant 8 : i32
          %shift_left3A_509 = vector.broadcast %shift_left3A_508 : i32 to vector<16xi32>
          %shift_left3A_510 = arith.shli %and3A_507, %shift_left3A_509 : vector<16xi32>
          %add3A_511 = arith.addi %add3A_500, %shift_left3A_510 : vector<16xi32>
          %sub3A_512 = arith.constant 12 : i32
          %sub3A_513 = arith.subi %sub3A_512, %squeeze3A_284 : i32
          %shift_right_arithmetic3A_514 = vector.broadcast %sub3A_513 : i32 to vector<16xi32>
          %shift_right_arithmetic3A_515 = arith.shrsi %shift_left3A_454, %shift_right_arithmetic3A_514 : vector<16xi32>
          %and3A_516 = arith.constant 1 : i32
          %and3A_517 = vector.broadcast %and3A_516 : i32 to vector<16xi32>
          %and3A_518 = arith.andi %shift_right_arithmetic3A_515, %and3A_517 : vector<16xi32>
          %shift_left3A_519 = arith.constant 7 : i32
          %shift_left3A_520 = vector.broadcast %shift_left3A_519 : i32 to vector<16xi32>
          %shift_left3A_521 = arith.shli %and3A_518, %shift_left3A_520 : vector<16xi32>
          %add3A_522 = arith.addi %add3A_511, %shift_left3A_521 : vector<16xi32>
          %sub3A_523 = arith.constant 12 : i32
          %sub3A_524 = arith.subi %sub3A_523, %squeeze3A_286 : i32
          %shift_right_arithmetic3A_525 = vector.broadcast %sub3A_524 : i32 to vector<16xi32>
          %shift_right_arithmetic3A_526 = arith.shrsi %shift_left3A_454, %shift_right_arithmetic3A_525 : vector<16xi32>
          %and3A_527 = arith.constant 1 : i32
          %and3A_528 = vector.broadcast %and3A_527 : i32 to vector<16xi32>
          %and3A_529 = arith.andi %shift_right_arithmetic3A_526, %and3A_528 : vector<16xi32>
          %shift_left3A_530 = arith.constant 6 : i32
          %shift_left3A_531 = vector.broadcast %shift_left3A_530 : i32 to vector<16xi32>
          %shift_left3A_532 = arith.shli %and3A_529, %shift_left3A_531 : vector<16xi32>
          %add3A_533 = arith.addi %add3A_522, %shift_left3A_532 : vector<16xi32>
          %sub3A_534 = arith.constant 12 : i32
          %sub3A_535 = arith.subi %sub3A_534, %squeeze3A_288 : i32
          %shift_right_arithmetic3A_536 = vector.broadcast %sub3A_535 : i32 to vector<16xi32>
          %shift_right_arithmetic3A_537 = arith.shrsi %shift_left3A_454, %shift_right_arithmetic3A_536 : vector<16xi32>
          %and3A_538 = arith.constant 1 : i32
          %and3A_539 = vector.broadcast %and3A_538 : i32 to vector<16xi32>
          %and3A_540 = arith.andi %shift_right_arithmetic3A_537, %and3A_539 : vector<16xi32>
          %shift_left3A_541 = arith.constant 5 : i32
          %shift_left3A_542 = vector.broadcast %shift_left3A_541 : i32 to vector<16xi32>
          %shift_left3A_543 = arith.shli %and3A_540, %shift_left3A_542 : vector<16xi32>
          %add3A_544 = arith.addi %add3A_533, %shift_left3A_543 : vector<16xi32>
          %sub3A_545 = arith.constant 12 : i32
          %sub3A_546 = arith.subi %sub3A_545, %squeeze3A_290 : i32
          %shift_right_arithmetic3A_547 = vector.broadcast %sub3A_546 : i32 to vector<16xi32>
          %shift_right_arithmetic3A_548 = arith.shrsi %shift_left3A_454, %shift_right_arithmetic3A_547 : vector<16xi32>
          %and3A_549 = arith.constant 1 : i32
          %and3A_550 = vector.broadcast %and3A_549 : i32 to vector<16xi32>
          %and3A_551 = arith.andi %shift_right_arithmetic3A_548, %and3A_550 : vector<16xi32>
          %shift_left3A_552 = arith.constant 4 : i32
          %shift_left3A_553 = vector.broadcast %shift_left3A_552 : i32 to vector<16xi32>
          %shift_left3A_554 = arith.shli %and3A_551, %shift_left3A_553 : vector<16xi32>
          %add3A_555 = arith.addi %add3A_544, %shift_left3A_554 : vector<16xi32>
          %sub3A_556 = arith.constant 12 : i32
          %sub3A_557 = arith.subi %sub3A_556, %squeeze3A_292 : i32
          %shift_right_arithmetic3A_558 = vector.broadcast %sub3A_557 : i32 to vector<16xi32>
          %shift_right_arithmetic3A_559 = arith.shrsi %shift_left3A_454, %shift_right_arithmetic3A_558 : vector<16xi32>
          %and3A_560 = arith.constant 1 : i32
          %and3A_561 = vector.broadcast %and3A_560 : i32 to vector<16xi32>
          %and3A_562 = arith.andi %shift_right_arithmetic3A_559, %and3A_561 : vector<16xi32>
          %shift_left3A_563 = arith.constant 3 : i32
          %shift_left3A_564 = vector.broadcast %shift_left3A_563 : i32 to vector<16xi32>
          %shift_left3A_565 = arith.shli %and3A_562, %shift_left3A_564 : vector<16xi32>
          %add3A_566 = arith.addi %add3A_555, %shift_left3A_565 : vector<16xi32>
          %sub3A_567 = arith.constant 12 : i32
          %sub3A_568 = arith.subi %sub3A_567, %squeeze3A_294 : i32
          %shift_right_arithmetic3A_569 = vector.broadcast %sub3A_568 : i32 to vector<16xi32>
          %shift_right_arithmetic3A_570 = arith.shrsi %shift_left3A_454, %shift_right_arithmetic3A_569 : vector<16xi32>
          %and3A_571 = arith.constant 1 : i32
          %and3A_572 = vector.broadcast %and3A_571 : i32 to vector<16xi32>
          %and3A_573 = arith.andi %shift_right_arithmetic3A_570, %and3A_572 : vector<16xi32>
          %shift_left3A_574 = arith.constant 2 : i32
          %shift_left3A_575 = vector.broadcast %shift_left3A_574 : i32 to vector<16xi32>
          %shift_left3A_576 = arith.shli %and3A_573, %shift_left3A_575 : vector<16xi32>
          %add3A_577 = arith.addi %add3A_566, %shift_left3A_576 : vector<16xi32>
          %sub3A_578 = arith.constant 12 : i32
          %sub3A_579 = arith.subi %sub3A_578, %squeeze3A_296 : i32
          %shift_right_arithmetic3A_580 = vector.broadcast %sub3A_579 : i32 to vector<16xi32>
          %shift_right_arithmetic3A_581 = arith.shrsi %shift_left3A_454, %shift_right_arithmetic3A_580 : vector<16xi32>
          %and3A_582 = arith.constant 1 : i32
          %and3A_583 = vector.broadcast %and3A_582 : i32 to vector<16xi32>
          %and3A_584 = arith.andi %shift_right_arithmetic3A_581, %and3A_583 : vector<16xi32>
          %shift_left3A_585 = arith.constant 1 : i32
          %shift_left3A_586 = vector.broadcast %shift_left3A_585 : i32 to vector<16xi32>
          %shift_left3A_587 = arith.shli %and3A_584, %shift_left3A_586 : vector<16xi32>
          %add3A_588 = arith.addi %add3A_577, %shift_left3A_587 : vector<16xi32>
          %sub3A_589 = arith.constant 12 : i32
          %sub3A_590 = arith.subi %sub3A_589, %squeeze3A_298 : i32
          %shift_right_arithmetic3A_591 = vector.broadcast %sub3A_590 : i32 to vector<16xi32>
          %shift_right_arithmetic3A_592 = arith.shrsi %shift_left3A_454, %shift_right_arithmetic3A_591 : vector<16xi32>
          %and3A_593 = arith.constant 1 : i32
          %and3A_594 = vector.broadcast %and3A_593 : i32 to vector<16xi32>
          %and3A_595 = arith.andi %shift_right_arithmetic3A_592, %and3A_594 : vector<16xi32>
          %shift_left3A_596 = arith.constant 0 : i32
          %shift_left3A_597 = vector.broadcast %shift_left3A_596 : i32 to vector<16xi32>
          %shift_left3A_598 = arith.shli %and3A_595, %shift_left3A_597 : vector<16xi32>
          %add3A_599 = arith.addi %add3A_588, %shift_left3A_598 : vector<16xi32>
          %slice3A_600 = vector.extract_strided_slice %add3A_599 {offsets = [0], sizes = [1], strides = [1]} : vector<16xi32> to vector<1xi32>
          %squeeze3A_601 = vector.extract %slice3A_600[0] : i32 from vector<1xi32>
          %add3A_602 = vector.broadcast %squeeze3A_601 : i32 to vector<16xi32>
          %add3A_603 = arith.addi %add3A_439, %add3A_602 : vector<16xi32>
          %gather3A = tpu.vector_load_idx %arg7[%add3A_603] : memref<8192xf32, #tpu.memory_space<vmem>>[vector<16xi32>], vector<16xf32>,
          %mul3A_604 = arith.constant 16 : i32
          %mul3A_605 = arith.muli %scan3A_447, %mul3A_604 : i32
          %add3A_606 = arith.constant 0 : i32
          %add3A_607 = arith.addi %mul3A_605, %add3A_606 : i32
          %mul3A_608 = arith.constant 16 : i32
          %mul3A_609 = arith.muli %add3A_607, %mul3A_608 : i32
          %add3A_610 = vector.broadcast %mul3A_609 : i32 to vector<16xi32>
          %add3A_611 = arith.addi %add3A_610, %iota3A : vector<16xi32>
          tpu.vector_store_idx %arg8[%add3A_611, %broadcast_in_dim3A_440], %gather3A : memref<8192x2xf32, #tpu.memory_space<vmem>>[vector<16xi32>, vector<16xi32>], vector<16xf32>,
          %slice3A_612 = vector.extract_strided_slice %add3A_599 {offsets = [1], sizes = [1], strides = [1]} : vector<16xi32> to vector<1xi32>
          %squeeze3A_613 = vector.extract %slice3A_612[0] : i32 from vector<1xi32>
          %add3A_614 = vector.broadcast %squeeze3A_613 : i32 to vector<16xi32>
          %add3A_615 = arith.addi %add3A_439, %add3A_614 : vector<16xi32>
          %gather3A_616 = tpu.vector_load_idx %arg7[%add3A_615] : memref<8192xf32, #tpu.memory_space<vmem>>[vector<16xi32>], vector<16xf32>,
          %mul3A_617 = arith.constant 16 : i32
          %mul3A_618 = arith.muli %scan3A_447, %mul3A_617 : i32
          %add3A_619 = arith.constant 1 : i32
          %add3A_620 = arith.addi %mul3A_618, %add3A_619 : i32
          %mul3A_621 = arith.constant 16 : i32
          %mul3A_622 = arith.muli %add3A_620, %mul3A_621 : i32
          %add3A_623 = vector.broadcast %mul3A_622 : i32 to vector<16xi32>
          %add3A_624 = arith.addi %add3A_623, %iota3A : vector<16xi32>
          tpu.vector_store_idx %arg8[%add3A_624, %broadcast_in_dim3A_440], %gather3A_616 : memref<8192x2xf32, #tpu.memory_space<vmem>>[vector<16xi32>, vector<16xi32>], vector<16xf32>,
          %slice3A_625 = vector.extract_strided_slice %add3A_599 {offsets = [2], sizes = [1], strides = [1]} : vector<16xi32> to vector<1xi32>
          %squeeze3A_626 = vector.extract %slice3A_625[0] : i32 from vector<1xi32>
          %add3A_627 = vector.broadcast %squeeze3A_626 : i32 to vector<16xi32>
          %add3A_628 = arith.addi %add3A_439, %add3A_627 : vector<16xi32>
          %gather3A_629 = tpu.vector_load_idx %arg7[%add3A_628] : memref<8192xf32, #tpu.memory_space<vmem>>[vector<16xi32>], vector<16xf32>,
          %mul3A_630 = arith.constant 16 : i32
          %mul3A_631 = arith.muli %scan3A_447, %mul3A_630 : i32
          %add3A_632 = arith.constant 2 : i32
          %add3A_633 = arith.addi %mul3A_631, %add3A_632 : i32
          %mul3A_634 = arith.constant 16 : i32
          %mul3A_635 = arith.muli %add3A_633, %mul3A_634 : i32
          %add3A_636 = vector.broadcast %mul3A_635 : i32 to vector<16xi32>
          %add3A_637 = arith.addi %add3A_636, %iota3A : vector<16xi32>
          tpu.vector_store_idx %arg8[%add3A_637, %broadcast_in_dim3A_440], %gather3A_629 : memref<8192x2xf32, #tpu.memory_space<vmem>>[vector<16xi32>, vector<16xi32>], vector<16xf32>,
          %slice3A_638 = vector.extract_strided_slice %add3A_599 {offsets = [3], sizes = [1], strides = [1]} : vector<16xi32> to vector<1xi32>
          %squeeze3A_639 = vector.extract %slice3A_638[0] : i32 from vector<1xi32>
          %add3A_640 = vector.broadcast %squeeze3A_639 : i32 to vector<16xi32>
          %add3A_641 = arith.addi %add3A_439, %add3A_640 : vector<16xi32>
          %gather3A_642 = tpu.vector_load_idx %arg7[%add3A_641] : memref<8192xf32, #tpu.memory_space<vmem>>[vector<16xi32>], vector<16xf32>,
          %mul3A_643 = arith.constant 16 : i32
          %mul3A_644 = arith.muli %scan3A_447, %mul3A_643 : i32
          %add3A_645 = arith.constant 3 : i32
          %add3A_646 = arith.addi %mul3A_644, %add3A_645 : i32
          %mul3A_647 = arith.constant 16 : i32
          %mul3A_648 = arith.muli %add3A_646, %mul3A_647 : i32
          %add3A_649 = vector.broadcast %mul3A_648 : i32 to vector<16xi32>
          %add3A_650 = arith.addi %add3A_649, %iota3A : vector<16xi32>
          tpu.vector_store_idx %arg8[%add3A_650, %broadcast_in_dim3A_440], %gather3A_642 : memref<8192x2xf32, #tpu.memory_space<vmem>>[vector<16xi32>, vector<16xi32>], vector<16xf32>,
          %slice3A_651 = vector.extract_strided_slice %add3A_599 {offsets = [4], sizes = [1], strides = [1]} : vector<16xi32> to vector<1xi32>
          %squeeze3A_652 = vector.extract %slice3A_651[0] : i32 from vector<1xi32>
          %add3A_653 = vector.broadcast %squeeze3A_652 : i32 to vector<16xi32>
          %add3A_654 = arith.addi %add3A_439, %add3A_653 : vector<16xi32>
          %gather3A_655 = tpu.vector_load_idx %arg7[%add3A_654] : memref<8192xf32, #tpu.memory_space<vmem>>[vector<16xi32>], vector<16xf32>,
          %mul3A_656 = arith.constant 16 : i32
          %mul3A_657 = arith.muli %scan3A_447, %mul3A_656 : i32
          %add3A_658 = arith.constant 4 : i32
          %add3A_659 = arith.addi %mul3A_657, %add3A_658 : i32
          %mul3A_660 = arith.constant 16 : i32
          %mul3A_661 = arith.muli %add3A_659, %mul3A_660 : i32
          %add3A_662 = vector.broadcast %mul3A_661 : i32 to vector<16xi32>
          %add3A_663 = arith.addi %add3A_662, %iota3A : vector<16xi32>
          tpu.vector_store_idx %arg8[%add3A_663, %broadcast_in_dim3A_440], %gather3A_655 : memref<8192x2xf32, #tpu.memory_space<vmem>>[vector<16xi32>, vector<16xi32>], vector<16xf32>,
          %slice3A_664 = vector.extract_strided_slice %add3A_599 {offsets = [5], sizes = [1], strides = [1]} : vector<16xi32> to vector<1xi32>
          %squeeze3A_665 = vector.extract %slice3A_664[0] : i32 from vector<1xi32>
          %add3A_666 = vector.broadcast %squeeze3A_665 : i32 to vector<16xi32>
          %add3A_667 = arith.addi %add3A_439, %add3A_666 : vector<16xi32>
          %gather3A_668 = tpu.vector_load_idx %arg7[%add3A_667] : memref<8192xf32, #tpu.memory_space<vmem>>[vector<16xi32>], vector<16xf32>,
          %mul3A_669 = arith.constant 16 : i32
          %mul3A_670 = arith.muli %scan3A_447, %mul3A_669 : i32
          %add3A_671 = arith.constant 5 : i32
          %add3A_672 = arith.addi %mul3A_670, %add3A_671 : i32
          %mul3A_673 = arith.constant 16 : i32
          %mul3A_674 = arith.muli %add3A_672, %mul3A_673 : i32
          %add3A_675 = vector.broadcast %mul3A_674 : i32 to vector<16xi32>
          %add3A_676 = arith.addi %add3A_675, %iota3A : vector<16xi32>
          tpu.vector_store_idx %arg8[%add3A_676, %broadcast_in_dim3A_440], %gather3A_668 : memref<8192x2xf32, #tpu.memory_space<vmem>>[vector<16xi32>, vector<16xi32>], vector<16xf32>,
          %slice3A_677 = vector.extract_strided_slice %add3A_599 {offsets = [6], sizes = [1], strides = [1]} : vector<16xi32> to vector<1xi32>
          %squeeze3A_678 = vector.extract %slice3A_677[0] : i32 from vector<1xi32>
          %add3A_679 = vector.broadcast %squeeze3A_678 : i32 to vector<16xi32>
          %add3A_680 = arith.addi %add3A_439, %add3A_679 : vector<16xi32>
          %gather3A_681 = tpu.vector_load_idx %arg7[%add3A_680] : memref<8192xf32, #tpu.memory_space<vmem>>[vector<16xi32>], vector<16xf32>,
          %mul3A_682 = arith.constant 16 : i32
          %mul3A_683 = arith.muli %scan3A_447, %mul3A_682 : i32
          %add3A_684 = arith.constant 6 : i32
          %add3A_685 = arith.addi %mul3A_683, %add3A_684 : i32
          %mul3A_686 = arith.constant 16 : i32
          %mul3A_687 = arith.muli %add3A_685, %mul3A_686 : i32
          %add3A_688 = vector.broadcast %mul3A_687 : i32 to vector<16xi32>
          %add3A_689 = arith.addi %add3A_688, %iota3A : vector<16xi32>
          tpu.vector_store_idx %arg8[%add3A_689, %broadcast_in_dim3A_440], %gather3A_681 : memref<8192x2xf32, #tpu.memory_space<vmem>>[vector<16xi32>, vector<16xi32>], vector<16xf32>,
          %slice3A_690 = vector.extract_strided_slice %add3A_599 {offsets = [7], sizes = [1], strides = [1]} : vector<16xi32> to vector<1xi32>
          %squeeze3A_691 = vector.extract %slice3A_690[0] : i32 from vector<1xi32>
          %add3A_692 = vector.broadcast %squeeze3A_691 : i32 to vector<16xi32>
          %add3A_693 = arith.addi %add3A_439, %add3A_692 : vector<16xi32>
          %gather3A_694 = tpu.vector_load_idx %arg7[%add3A_693] : memref<8192xf32, #tpu.memory_space<vmem>>[vector<16xi32>], vector<16xf32>,
          %mul3A_695 = arith.constant 16 : i32
          %mul3A_696 = arith.muli %scan3A_447, %mul3A_695 : i32
          %add3A_697 = arith.constant 7 : i32
          %add3A_698 = arith.addi %mul3A_696, %add3A_697 : i32
          %mul3A_699 = arith.constant 16 : i32
          %mul3A_700 = arith.muli %add3A_698, %mul3A_699 : i32
          %add3A_701 = vector.broadcast %mul3A_700 : i32 to vector<16xi32>
          %add3A_702 = arith.addi %add3A_701, %iota3A : vector<16xi32>
          tpu.vector_store_idx %arg8[%add3A_702, %broadcast_in_dim3A_440], %gather3A_694 : memref<8192x2xf32, #tpu.memory_space<vmem>>[vector<16xi32>, vector<16xi32>], vector<16xf32>,
          %slice3A_703 = vector.extract_strided_slice %add3A_599 {offsets = [8], sizes = [1], strides = [1]} : vector<16xi32> to vector<1xi32>
          %squeeze3A_704 = vector.extract %slice3A_703[0] : i32 from vector<1xi32>
          %add3A_705 = vector.broadcast %squeeze3A_704 : i32 to vector<16xi32>
          %add3A_706 = arith.addi %add3A_439, %add3A_705 : vector<16xi32>
          %gather3A_707 = tpu.vector_load_idx %arg7[%add3A_706] : memref<8192xf32, #tpu.memory_space<vmem>>[vector<16xi32>], vector<16xf32>,
          %mul3A_708 = arith.constant 16 : i32
          %mul3A_709 = arith.muli %scan3A_447, %mul3A_708 : i32
          %add3A_710 = arith.constant 8 : i32
          %add3A_711 = arith.addi %mul3A_709, %add3A_710 : i32
          %mul3A_712 = arith.constant 16 : i32
          %mul3A_713 = arith.muli %add3A_711, %mul3A_712 : i32
          %add3A_714 = vector.broadcast %mul3A_713 : i32 to vector<16xi32>
          %add3A_715 = arith.addi %add3A_714, %iota3A : vector<16xi32>
          tpu.vector_store_idx %arg8[%add3A_715, %broadcast_in_dim3A_440], %gather3A_707 : memref<8192x2xf32, #tpu.memory_space<vmem>>[vector<16xi32>, vector<16xi32>], vector<16xf32>,
          %slice3A_716 = vector.extract_strided_slice %add3A_599 {offsets = [9], sizes = [1], strides = [1]} : vector<16xi32> to vector<1xi32>
          %squeeze3A_717 = vector.extract %slice3A_716[0] : i32 from vector<1xi32>
          %add3A_718 = vector.broadcast %squeeze3A_717 : i32 to vector<16xi32>
          %add3A_719 = arith.addi %add3A_439, %add3A_718 : vector<16xi32>
          %gather3A_720 = tpu.vector_load_idx %arg7[%add3A_719] : memref<8192xf32, #tpu.memory_space<vmem>>[vector<16xi32>], vector<16xf32>,
          %mul3A_721 = arith.constant 16 : i32
          %mul3A_722 = arith.muli %scan3A_447, %mul3A_721 : i32
          %add3A_723 = arith.constant 9 : i32
          %add3A_724 = arith.addi %mul3A_722, %add3A_723 : i32
          %mul3A_725 = arith.constant 16 : i32
          %mul3A_726 = arith.muli %add3A_724, %mul3A_725 : i32
          %add3A_727 = vector.broadcast %mul3A_726 : i32 to vector<16xi32>
          %add3A_728 = arith.addi %add3A_727, %iota3A : vector<16xi32>
          tpu.vector_store_idx %arg8[%add3A_728, %broadcast_in_dim3A_440], %gather3A_720 : memref<8192x2xf32, #tpu.memory_space<vmem>>[vector<16xi32>, vector<16xi32>], vector<16xf32>,
          %slice3A_729 = vector.extract_strided_slice %add3A_599 {offsets = [10], sizes = [1], strides = [1]} : vector<16xi32> to vector<1xi32>
          %squeeze3A_730 = vector.extract %slice3A_729[0] : i32 from vector<1xi32>
          %add3A_731 = vector.broadcast %squeeze3A_730 : i32 to vector<16xi32>
          %add3A_732 = arith.addi %add3A_439, %add3A_731 : vector<16xi32>
          %gather3A_733 = tpu.vector_load_idx %arg7[%add3A_732] : memref<8192xf32, #tpu.memory_space<vmem>>[vector<16xi32>], vector<16xf32>,
          %mul3A_734 = arith.constant 16 : i32
          %mul3A_735 = arith.muli %scan3A_447, %mul3A_734 : i32
          %add3A_736 = arith.constant 10 : i32
          %add3A_737 = arith.addi %mul3A_735, %add3A_736 : i32
          %mul3A_738 = arith.constant 16 : i32
          %mul3A_739 = arith.muli %add3A_737, %mul3A_738 : i32
          %add3A_740 = vector.broadcast %mul3A_739 : i32 to vector<16xi32>
          %add3A_741 = arith.addi %add3A_740, %iota3A : vector<16xi32>
          tpu.vector_store_idx %arg8[%add3A_741, %broadcast_in_dim3A_440], %gather3A_733 : memref<8192x2xf32, #tpu.memory_space<vmem>>[vector<16xi32>, vector<16xi32>], vector<16xf32>,
          %slice3A_742 = vector.extract_strided_slice %add3A_599 {offsets = [11], sizes = [1], strides = [1]} : vector<16xi32> to vector<1xi32>
          %squeeze3A_743 = vector.extract %slice3A_742[0] : i32 from vector<1xi32>
          %add3A_744 = vector.broadcast %squeeze3A_743 : i32 to vector<16xi32>
          %add3A_745 = arith.addi %add3A_439, %add3A_744 : vector<16xi32>
          %gather3A_746 = tpu.vector_load_idx %arg7[%add3A_745] : memref<8192xf32, #tpu.memory_space<vmem>>[vector<16xi32>], vector<16xf32>,
          %mul3A_747 = arith.constant 16 : i32
          %mul3A_748 = arith.muli %scan3A_447, %mul3A_747 : i32
          %add3A_749 = arith.constant 11 : i32
          %add3A_750 = arith.addi %mul3A_748, %add3A_749 : i32
          %mul3A_751 = arith.constant 16 : i32
          %mul3A_752 = arith.muli %add3A_750, %mul3A_751 : i32
          %add3A_753 = vector.broadcast %mul3A_752 : i32 to vector<16xi32>
          %add3A_754 = arith.addi %add3A_753, %iota3A : vector<16xi32>
          tpu.vector_store_idx %arg8[%add3A_754, %broadcast_in_dim3A_440], %gather3A_746 : memref<8192x2xf32, #tpu.memory_space<vmem>>[vector<16xi32>, vector<16xi32>], vector<16xf32>,
          %slice3A_755 = vector.extract_strided_slice %add3A_599 {offsets = [12], sizes = [1], strides = [1]} : vector<16xi32> to vector<1xi32>
          %squeeze3A_756 = vector.extract %slice3A_755[0] : i32 from vector<1xi32>
          %add3A_757 = vector.broadcast %squeeze3A_756 : i32 to vector<16xi32>
          %add3A_758 = arith.addi %add3A_439, %add3A_757 : vector<16xi32>
          %gather3A_759 = tpu.vector_load_idx %arg7[%add3A_758] : memref<8192xf32, #tpu.memory_space<vmem>>[vector<16xi32>], vector<16xf32>,
          %mul3A_760 = arith.constant 16 : i32
          %mul3A_761 = arith.muli %scan3A_447, %mul3A_760 : i32
          %add3A_762 = arith.constant 12 : i32
          %add3A_763 = arith.addi %mul3A_761, %add3A_762 : i32
          %mul3A_764 = arith.constant 16 : i32
          %mul3A_765 = arith.muli %add3A_763, %mul3A_764 : i32
          %add3A_766 = vector.broadcast %mul3A_765 : i32 to vector<16xi32>
          %add3A_767 = arith.addi %add3A_766, %iota3A : vector<16xi32>
          tpu.vector_store_idx %arg8[%add3A_767, %broadcast_in_dim3A_440], %gather3A_759 : memref<8192x2xf32, #tpu.memory_space<vmem>>[vector<16xi32>, vector<16xi32>], vector<16xf32>,
          %slice3A_768 = vector.extract_strided_slice %add3A_599 {offsets = [13], sizes = [1], strides = [1]} : vector<16xi32> to vector<1xi32>
          %squeeze3A_769 = vector.extract %slice3A_768[0] : i32 from vector<1xi32>
          %add3A_770 = vector.broadcast %squeeze3A_769 : i32 to vector<16xi32>
          %add3A_771 = arith.addi %add3A_439, %add3A_770 : vector<16xi32>
          %gather3A_772 = tpu.vector_load_idx %arg7[%add3A_771] : memref<8192xf32, #tpu.memory_space<vmem>>[vector<16xi32>], vector<16xf32>,
          %mul3A_773 = arith.constant 16 : i32
          %mul3A_774 = arith.muli %scan3A_447, %mul3A_773 : i32
          %add3A_775 = arith.constant 13 : i32
          %add3A_776 = arith.addi %mul3A_774, %add3A_775 : i32
          %mul3A_777 = arith.constant 16 : i32
          %mul3A_778 = arith.muli %add3A_776, %mul3A_777 : i32
          %add3A_779 = vector.broadcast %mul3A_778 : i32 to vector<16xi32>
          %add3A_780 = arith.addi %add3A_779, %iota3A : vector<16xi32>
          tpu.vector_store_idx %arg8[%add3A_780, %broadcast_in_dim3A_440], %gather3A_772 : memref<8192x2xf32, #tpu.memory_space<vmem>>[vector<16xi32>, vector<16xi32>], vector<16xf32>,
          %slice3A_781 = vector.extract_strided_slice %add3A_599 {offsets = [14], sizes = [1], strides = [1]} : vector<16xi32> to vector<1xi32>
          %squeeze3A_782 = vector.extract %slice3A_781[0] : i32 from vector<1xi32>
          %add3A_783 = vector.broadcast %squeeze3A_782 : i32 to vector<16xi32>
          %add3A_784 = arith.addi %add3A_439, %add3A_783 : vector<16xi32>
          %gather3A_785 = tpu.vector_load_idx %arg7[%add3A_784] : memref<8192xf32, #tpu.memory_space<vmem>>[vector<16xi32>], vector<16xf32>,
          %mul3A_786 = arith.constant 16 : i32
          %mul3A_787 = arith.muli %scan3A_447, %mul3A_786 : i32
          %add3A_788 = arith.constant 14 : i32
          %add3A_789 = arith.addi %mul3A_787, %add3A_788 : i32
          %mul3A_790 = arith.constant 16 : i32
          %mul3A_791 = arith.muli %add3A_789, %mul3A_790 : i32
          %add3A_792 = vector.broadcast %mul3A_791 : i32 to vector<16xi32>
          %add3A_793 = arith.addi %add3A_792, %iota3A : vector<16xi32>
          tpu.vector_store_idx %arg8[%add3A_793, %broadcast_in_dim3A_440], %gather3A_785 : memref<8192x2xf32, #tpu.memory_space<vmem>>[vector<16xi32>, vector<16xi32>], vector<16xf32>,
          %slice3A_794 = vector.extract_strided_slice %add3A_599 {offsets = [15], sizes = [1], strides = [1]} : vector<16xi32> to vector<1xi32>
          %squeeze3A_795 = vector.extract %slice3A_794[0] : i32 from vector<1xi32>
          %add3A_796 = vector.broadcast %squeeze3A_795 : i32 to vector<16xi32>
          %add3A_797 = arith.addi %add3A_439, %add3A_796 : vector<16xi32>
          %gather3A_798 = tpu.vector_load_idx %arg7[%add3A_797] : memref<8192xf32, #tpu.memory_space<vmem>>[vector<16xi32>], vector<16xf32>,
          %mul3A_799 = arith.constant 16 : i32
          %mul3A_800 = arith.muli %scan3A_447, %mul3A_799 : i32
          %add3A_801 = arith.constant 15 : i32
          %add3A_802 = arith.addi %mul3A_800, %add3A_801 : i32
          %mul3A_803 = arith.constant 16 : i32
          %mul3A_804 = arith.muli %add3A_802, %mul3A_803 : i32
          %add3A_805 = vector.broadcast %mul3A_804 : i32 to vector<16xi32>
          %add3A_806 = arith.addi %add3A_805, %iota3A : vector<16xi32>
          tpu.vector_store_idx %arg8[%add3A_806, %broadcast_in_dim3A_440], %gather3A_798 : memref<8192x2xf32, #tpu.memory_space<vmem>>[vector<16xi32>, vector<16xi32>], vector<16xf32>,
        }
        %scan3A_446 = arith.constant 32 : i32
      }
      %while3A_256 = arith.constant 1 : i32
      scf.for %while3A_262 = %while3A_254 to %while3A_250 step %while3A_256  : i32 {
        %jit3A = arith.constant 2 : i32
        %eq3A = arith.constant 0 : i32
        %eq3A_263 = arith.cmpi eq, %jit3A, %eq3A : i32
        %jit3A_264 = arith.constant 1 : i32
        %select_n3A = arith.select %eq3A_263, %jit3A_264, %jit3A : i32
        %rem3A = arith.remsi %while3A_262, %select_n3A : i32
        %ne3A = arith.constant 0 : i32
        %ne3A_265 = arith.cmpi ne, %rem3A, %ne3A : i32
        %lt3A = arith.constant 0 : i32
        %lt3A_266 = arith.cmpi slt, %rem3A, %lt3A : i32
        %lt3A_267 = arith.constant 0 : i32
        %lt3A_268 = arith.cmpi slt, %select_n3A, %lt3A_267 : i32
        %ne3A_269 = arith.xori %lt3A_266, %lt3A_268 : i1
        %and3A = arith.andi %ne3A_269, %ne3A_265 : i1
        %add3A_270 = arith.addi %rem3A, %select_n3A : i32
        %select_n3A_271 = arith.select %and3A, %add3A_270, %rem3A : i32
        %add3A_272 = arith.addi %add3A, %while3A_262 : i32
        "tpu.region"() ({
          %run_scoped3A = tpu.sem_alloc : memref<!tpu.dma_semaphore, #tpu.memory_space<semaphore_mem>>
          %dma_start3A_447 = arith.constant 0 : i32
          %dma_start3A_448 = tpu.memref_slice %arg3[%add3A_272, %dma_start3A_447] : memref<128x8192xf32, #tpu.memory_space<hbm>> -> memref<1x8192xf32, #tpu.memory_space<hbm>>
          %dma_start3A_449 = tpu.memref_squeeze %dma_start3A_448 : memref<1x8192xf32, #tpu.memory_space<hbm>> -> memref<8192xf32, #tpu.memory_space<hbm>>
          %dma_start3A_450 = arith.constant 0 : i32
          %dma_start3A_451 = tpu.memref_slice %arg3[%add3A_272, %dma_start3A_450] : memref<128x8192xf32, #tpu.memory_space<hbm>> -> memref<1x8192xf32, #tpu.memory_space<hbm>>
          %dma_start3A_452 = tpu.memref_squeeze %dma_start3A_451 : memref<1x8192xf32, #tpu.memory_space<hbm>> -> memref<8192xf32, #tpu.memory_space<hbm>>
          tpu.enqueue_dma source(%dma_start3A_452 : memref<8192xf32, #tpu.memory_space<hbm>>) target(%arg7 : memref<8192xf32, #tpu.memory_space<vmem>>) target_semaphore(%run_scoped3A : memref<!tpu.dma_semaphore, #tpu.memory_space<semaphore_mem>>)
          %dma_wait3A_453 = arith.constant 0 : i32
          %dma_wait3A_454 = tpu.memref_slice %arg3[%add3A_272, %dma_wait3A_453] : memref<128x8192xf32, #tpu.memory_space<hbm>> -> memref<1x8192xf32, #tpu.memory_space<hbm>>
          %dma_wait3A_455 = tpu.memref_squeeze %dma_wait3A_454 : memref<1x8192xf32, #tpu.memory_space<hbm>> -> memref<8192xf32, #tpu.memory_space<hbm>>
          %dma_wait3A_456 = arith.constant 0 : i32
          %dma_wait3A_457 = tpu.memref_slice %arg3[%add3A_272, %dma_wait3A_456] : memref<128x8192xf32, #tpu.memory_space<hbm>> -> memref<1x8192xf32, #tpu.memory_space<hbm>>
          %dma_wait3A_458 = tpu.memref_squeeze %dma_wait3A_457 : memref<1x8192xf32, #tpu.memory_space<hbm>> -> memref<8192xf32, #tpu.memory_space<hbm>>
          tpu.wait_dma2 semaphore(%run_scoped3A : memref<!tpu.dma_semaphore, #tpu.memory_space<semaphore_mem>>) src(%dma_wait3A_458 : memref<8192xf32, #tpu.memory_space<hbm>>) dst(%arg7 : memref<8192xf32, #tpu.memory_space<vmem>>)
          tpu.yield
        }) : () -> ()
        %get3A = arith.index_cast %while3A_262 : i32 to index
        %get3A_273 = arith.constant 0 : index
        %get3A_274 = tpu.vector_load %arg6[%get3A, %get3A_273] {strides = array<i32>} : memref<4x16xi32, #tpu.memory_space<vmem>>, vector<16xi32>,
        %slice3A = vector.extract_strided_slice %get3A_274 {offsets = [0], sizes = [1], strides = [1]} : vector<16xi32> to vector<1xi32>
        %squeeze3A = vector.extract %slice3A[0] : i32 from vector<1xi32>
        %slice3A_275 = vector.extract_strided_slice %get3A_274 {offsets = [1], sizes = [1], strides = [1]} : vector<16xi32> to vector<1xi32>
        %squeeze3A_276 = vector.extract %slice3A_275[0] : i32 from vector<1xi32>
        %slice3A_277 = vector.extract_strided_slice %get3A_274 {offsets = [2], sizes = [1], strides = [1]} : vector<16xi32> to vector<1xi32>
        %squeeze3A_278 = vector.extract %slice3A_277[0] : i32 from vector<1xi32>
        %slice3A_279 = vector.extract_strided_slice %get3A_274 {offsets = [3], sizes = [1], strides = [1]} : vector<16xi32> to vector<1xi32>
        %squeeze3A_280 = vector.extract %slice3A_279[0] : i32 from vector<1xi32>
        %slice3A_281 = vector.extract_strided_slice %get3A_274 {offsets = [4], sizes = [1], strides = [1]} : vector<16xi32> to vector<1xi32>
        %squeeze3A_282 = vector.extract %slice3A_281[0] : i32 from vector<1xi32>
        %slice3A_283 = vector.extract_strided_slice %get3A_274 {offsets = [5], sizes = [1], strides = [1]} : vector<16xi32> to vector<1xi32>
        %squeeze3A_284 = vector.extract %slice3A_283[0] : i32 from vector<1xi32>
        %slice3A_285 = vector.extract_strided_slice %get3A_274 {offsets = [6], sizes = [1], strides = [1]} : vector<16xi32> to vector<1xi32>
        %squeeze3A_286 = vector.extract %slice3A_285[0] : i32 from vector<1xi32>
        %slice3A_287 = vector.extract_strided_slice %get3A_274 {offsets = [7], sizes = [1], strides = [1]} : vector<16xi32> to vector<1xi32>
        %squeeze3A_288 = vector.extract %slice3A_287[0] : i32 from vector<1xi32>
        %slice3A_289 = vector.extract_strided_slice %get3A_274 {offsets = [8], sizes = [1], strides = [1]} : vector<16xi32> to vector<1xi32>
        %squeeze3A_290 = vector.extract %slice3A_289[0] : i32 from vector<1xi32>
        %slice3A_291 = vector.extract_strided_slice %get3A_274 {offsets = [9], sizes = [1], strides = [1]} : vector<16xi32> to vector<1xi32>
        %squeeze3A_292 = vector.extract %slice3A_291[0] : i32 from vector<1xi32>
        %slice3A_293 = vector.extract_strided_slice %get3A_274 {offsets = [10], sizes = [1], strides = [1]} : vector<16xi32> to vector<1xi32>
        %squeeze3A_294 = vector.extract %slice3A_293[0] : i32 from vector<1xi32>
        %slice3A_295 = vector.extract_strided_slice %get3A_274 {offsets = [11], sizes = [1], strides = [1]} : vector<16xi32> to vector<1xi32>
        %squeeze3A_296 = vector.extract %slice3A_295[0] : i32 from vector<1xi32>
        %slice3A_297 = vector.extract_strided_slice %get3A_274 {offsets = [12], sizes = [1], strides = [1]} : vector<16xi32> to vector<1xi32>
        %squeeze3A_298 = vector.extract %slice3A_297[0] : i32 from vector<1xi32>
        %broadcast_in_dim3A = arith.constant 0 : i32
        %broadcast_in_dim3A_299 = vector.broadcast %broadcast_in_dim3A : i32 to vector<16xi32>
        %sub3A = arith.constant 12 : i32
        %sub3A_300 = arith.subi %sub3A, %squeeze3A : i32
        %shift_right_arithmetic3A = vector.broadcast %sub3A_300 : i32 to vector<16xi32>
        %shift_right_arithmetic3A_301 = arith.shrsi %iota3A, %shift_right_arithmetic3A : vector<16xi32>
        %and3A_302 = arith.constant 1 : i32
        %and3A_303 = vector.broadcast %and3A_302 : i32 to vector<16xi32>
        %and3A_304 = arith.andi %shift_right_arithmetic3A_301, %and3A_303 : vector<16xi32>
        %shift_left3A = arith.constant 12 : i32
        %shift_left3A_305 = vector.broadcast %shift_left3A : i32 to vector<16xi32>
        %shift_left3A_306 = arith.shli %and3A_304, %shift_left3A_305 : vector<16xi32>
        %add3A_307 = arith.addi %broadcast_in_dim3A_299, %shift_left3A_306 : vector<16xi32>
        %sub3A_308 = arith.constant 12 : i32
        %sub3A_309 = arith.subi %sub3A_308, %squeeze3A_276 : i32
        %shift_right_arithmetic3A_310 = vector.broadcast %sub3A_309 : i32 to vector<16xi32>
        %shift_right_arithmetic3A_311 = arith.shrsi %iota3A, %shift_right_arithmetic3A_310 : vector<16xi32>
        %and3A_312 = arith.constant 1 : i32
        %and3A_313 = vector.broadcast %and3A_312 : i32 to vector<16xi32>
        %and3A_314 = arith.andi %shift_right_arithmetic3A_311, %and3A_313 : vector<16xi32>
        %shift_left3A_315 = arith.constant 11 : i32
        %shift_left3A_316 = vector.broadcast %shift_left3A_315 : i32 to vector<16xi32>
        %shift_left3A_317 = arith.shli %and3A_314, %shift_left3A_316 : vector<16xi32>
        %add3A_318 = arith.addi %add3A_307, %shift_left3A_317 : vector<16xi32>
        %sub3A_319 = arith.constant 12 : i32
        %sub3A_320 = arith.subi %sub3A_319, %squeeze3A_278 : i32
        %shift_right_arithmetic3A_321 = vector.broadcast %sub3A_320 : i32 to vector<16xi32>
        %shift_right_arithmetic3A_322 = arith.shrsi %iota3A, %shift_right_arithmetic3A_321 : vector<16xi32>
        %and3A_323 = arith.constant 1 : i32
        %and3A_324 = vector.broadcast %and3A_323 : i32 to vector<16xi32>
        %and3A_325 = arith.andi %shift_right_arithmetic3A_322, %and3A_324 : vector<16xi32>
        %shift_left3A_326 = arith.constant 10 : i32
        %shift_left3A_327 = vector.broadcast %shift_left3A_326 : i32 to vector<16xi32>
        %shift_left3A_328 = arith.shli %and3A_325, %shift_left3A_327 : vector<16xi32>
        %add3A_329 = arith.addi %add3A_318, %shift_left3A_328 : vector<16xi32>
        %sub3A_330 = arith.constant 12 : i32
        %sub3A_331 = arith.subi %sub3A_330, %squeeze3A_280 : i32
        %shift_right_arithmetic3A_332 = vector.broadcast %sub3A_331 : i32 to vector<16xi32>
        %shift_right_arithmetic3A_333 = arith.shrsi %iota3A, %shift_right_arithmetic3A_332 : vector<16xi32>
        %and3A_334 = arith.constant 1 : i32
        %and3A_335 = vector.broadcast %and3A_334 : i32 to vector<16xi32>
        %and3A_336 = arith.andi %shift_right_arithmetic3A_333, %and3A_335 : vector<16xi32>
        %shift_left3A_337 = arith.constant 9 : i32
        %shift_left3A_338 = vector.broadcast %shift_left3A_337 : i32 to vector<16xi32>
        %shift_left3A_339 = arith.shli %and3A_336, %shift_left3A_338 : vector<16xi32>
        %add3A_340 = arith.addi %add3A_329, %shift_left3A_339 : vector<16xi32>
        %sub3A_341 = arith.constant 12 : i32
        %sub3A_342 = arith.subi %sub3A_341, %squeeze3A_282 : i32
        %shift_right_arithmetic3A_343 = vector.broadcast %sub3A_342 : i32 to vector<16xi32>
        %shift_right_arithmetic3A_344 = arith.shrsi %iota3A, %shift_right_arithmetic3A_343 : vector<16xi32>
        %and3A_345 = arith.constant 1 : i32
        %and3A_346 = vector.broadcast %and3A_345 : i32 to vector<16xi32>
        %and3A_347 = arith.andi %shift_right_arithmetic3A_344, %and3A_346 : vector<16xi32>
        %shift_left3A_348 = arith.constant 8 : i32
        %shift_left3A_349 = vector.broadcast %shift_left3A_348 : i32 to vector<16xi32>
        %shift_left3A_350 = arith.shli %and3A_347, %shift_left3A_349 : vector<16xi32>
        %add3A_351 = arith.addi %add3A_340, %shift_left3A_350 : vector<16xi32>
        %sub3A_352 = arith.constant 12 : i32
        %sub3A_353 = arith.subi %sub3A_352, %squeeze3A_284 : i32
        %shift_right_arithmetic3A_354 = vector.broadcast %sub3A_353 : i32 to vector<16xi32>
        %shift_right_arithmetic3A_355 = arith.shrsi %iota3A, %shift_right_arithmetic3A_354 : vector<16xi32>
        %and3A_356 = arith.constant 1 : i32
        %and3A_357 = vector.broadcast %and3A_356 : i32 to vector<16xi32>
        %and3A_358 = arith.andi %shift_right_arithmetic3A_355, %and3A_357 : vector<16xi32>
        %shift_left3A_359 = arith.constant 7 : i32
        %shift_left3A_360 = vector.broadcast %shift_left3A_359 : i32 to vector<16xi32>
        %shift_left3A_361 = arith.shli %and3A_358, %shift_left3A_360 : vector<16xi32>
        %add3A_362 = arith.addi %add3A_351, %shift_left3A_361 : vector<16xi32>
        %sub3A_363 = arith.constant 12 : i32
        %sub3A_364 = arith.subi %sub3A_363, %squeeze3A_286 : i32
        %shift_right_arithmetic3A_365 = vector.broadcast %sub3A_364 : i32 to vector<16xi32>
        %shift_right_arithmetic3A_366 = arith.shrsi %iota3A, %shift_right_arithmetic3A_365 : vector<16xi32>
        %and3A_367 = arith.constant 1 : i32
        %and3A_368 = vector.broadcast %and3A_367 : i32 to vector<16xi32>
        %and3A_369 = arith.andi %shift_right_arithmetic3A_366, %and3A_368 : vector<16xi32>
        %shift_left3A_370 = arith.constant 6 : i32
        %shift_left3A_371 = vector.broadcast %shift_left3A_370 : i32 to vector<16xi32>
        %shift_left3A_372 = arith.shli %and3A_369, %shift_left3A_371 : vector<16xi32>
        %add3A_373 = arith.addi %add3A_362, %shift_left3A_372 : vector<16xi32>
        %sub3A_374 = arith.constant 12 : i32
        %sub3A_375 = arith.subi %sub3A_374, %squeeze3A_288 : i32
        %shift_right_arithmetic3A_376 = vector.broadcast %sub3A_375 : i32 to vector<16xi32>
        %shift_right_arithmetic3A_377 = arith.shrsi %iota3A, %shift_right_arithmetic3A_376 : vector<16xi32>
        %and3A_378 = arith.constant 1 : i32
        %and3A_379 = vector.broadcast %and3A_378 : i32 to vector<16xi32>
        %and3A_380 = arith.andi %shift_right_arithmetic3A_377, %and3A_379 : vector<16xi32>
        %shift_left3A_381 = arith.constant 5 : i32
        %shift_left3A_382 = vector.broadcast %shift_left3A_381 : i32 to vector<16xi32>
        %shift_left3A_383 = arith.shli %and3A_380, %shift_left3A_382 : vector<16xi32>
        %add3A_384 = arith.addi %add3A_373, %shift_left3A_383 : vector<16xi32>
        %sub3A_385 = arith.constant 12 : i32
        %sub3A_386 = arith.subi %sub3A_385, %squeeze3A_290 : i32
        %shift_right_arithmetic3A_387 = vector.broadcast %sub3A_386 : i32 to vector<16xi32>
        %shift_right_arithmetic3A_388 = arith.shrsi %iota3A, %shift_right_arithmetic3A_387 : vector<16xi32>
        %and3A_389 = arith.constant 1 : i32
        %and3A_390 = vector.broadcast %and3A_389 : i32 to vector<16xi32>
        %and3A_391 = arith.andi %shift_right_arithmetic3A_388, %and3A_390 : vector<16xi32>
        %shift_left3A_392 = arith.constant 4 : i32
        %shift_left3A_393 = vector.broadcast %shift_left3A_392 : i32 to vector<16xi32>
        %shift_left3A_394 = arith.shli %and3A_391, %shift_left3A_393 : vector<16xi32>
        %add3A_395 = arith.addi %add3A_384, %shift_left3A_394 : vector<16xi32>
        %sub3A_396 = arith.constant 12 : i32
        %sub3A_397 = arith.subi %sub3A_396, %squeeze3A_292 : i32
        %shift_right_arithmetic3A_398 = vector.broadcast %sub3A_397 : i32 to vector<16xi32>
        %shift_right_arithmetic3A_399 = arith.shrsi %iota3A, %shift_right_arithmetic3A_398 : vector<16xi32>
        %and3A_400 = arith.constant 1 : i32
        %and3A_401 = vector.broadcast %and3A_400 : i32 to vector<16xi32>
        %and3A_402 = arith.andi %shift_right_arithmetic3A_399, %and3A_401 : vector<16xi32>
        %shift_left3A_403 = arith.constant 3 : i32
        %shift_left3A_404 = vector.broadcast %shift_left3A_403 : i32 to vector<16xi32>
        %shift_left3A_405 = arith.shli %and3A_402, %shift_left3A_404 : vector<16xi32>
        %add3A_406 = arith.addi %add3A_395, %shift_left3A_405 : vector<16xi32>
        %sub3A_407 = arith.constant 12 : i32
        %sub3A_408 = arith.subi %sub3A_407, %squeeze3A_294 : i32
        %shift_right_arithmetic3A_409 = vector.broadcast %sub3A_408 : i32 to vector<16xi32>
        %shift_right_arithmetic3A_410 = arith.shrsi %iota3A, %shift_right_arithmetic3A_409 : vector<16xi32>
        %and3A_411 = arith.constant 1 : i32
        %and3A_412 = vector.broadcast %and3A_411 : i32 to vector<16xi32>
        %and3A_413 = arith.andi %shift_right_arithmetic3A_410, %and3A_412 : vector<16xi32>
        %shift_left3A_414 = arith.constant 2 : i32
        %shift_left3A_415 = vector.broadcast %shift_left3A_414 : i32 to vector<16xi32>
        %shift_left3A_416 = arith.shli %and3A_413, %shift_left3A_415 : vector<16xi32>
        %add3A_417 = arith.addi %add3A_406, %shift_left3A_416 : vector<16xi32>
        %sub3A_418 = arith.constant 12 : i32
        %sub3A_419 = arith.subi %sub3A_418, %squeeze3A_296 : i32
        %shift_right_arithmetic3A_420 = vector.broadcast %sub3A_419 : i32 to vector<16xi32>
        %shift_right_arithmetic3A_421 = arith.shrsi %iota3A, %shift_right_arithmetic3A_420 : vector<16xi32>
        %and3A_422 = arith.constant 1 : i32
        %and3A_423 = vector.broadcast %and3A_422 : i32 to vector<16xi32>
        %and3A_424 = arith.andi %shift_right_arithmetic3A_421, %and3A_423 : vector<16xi32>
        %shift_left3A_425 = arith.constant 1 : i32
        %shift_left3A_426 = vector.broadcast %shift_left3A_425 : i32 to vector<16xi32>
        %shift_left3A_427 = arith.shli %and3A_424, %shift_left3A_426 : vector<16xi32>
        %add3A_428 = arith.addi %add3A_417, %shift_left3A_427 : vector<16xi32>
        %sub3A_429 = arith.constant 12 : i32
        %sub3A_430 = arith.subi %sub3A_429, %squeeze3A_298 : i32
        %shift_right_arithmetic3A_431 = vector.broadcast %sub3A_430 : i32 to vector<16xi32>
        %shift_right_arithmetic3A_432 = arith.shrsi %iota3A, %shift_right_arithmetic3A_431 : vector<16xi32>
        %and3A_433 = arith.constant 1 : i32
        %and3A_434 = vector.broadcast %and3A_433 : i32 to vector<16xi32>
        %and3A_435 = arith.andi %shift_right_arithmetic3A_432, %and3A_434 : vector<16xi32>
        %shift_left3A_436 = arith.constant 0 : i32
        %shift_left3A_437 = vector.broadcast %shift_left3A_436 : i32 to vector<16xi32>
        %shift_left3A_438 = arith.shli %and3A_435, %shift_left3A_437 : vector<16xi32>
        %add3A_439 = arith.addi %add3A_428, %shift_left3A_438 : vector<16xi32>
        %broadcast_in_dim3A_440 = vector.broadcast %select_n3A_271 : i32 to vector<16xi32>
        %scan3A_441 = arith.constant 0 : i32
        %scan3A_442 = arith.constant 0 : i32
        %scan3A_443 = arith.constant 32 : i32
        %scan3A_444 = arith.addi %scan3A_442, %scan3A_443 : i32
        %scan3A_445 = arith.constant 1 : i32
        scf.for %scan3A_447 = %scan3A_442 to %scan3A_444 step %scan3A_445  : i32 {
          %mul3A_448 = arith.constant 16 : i32
          %mul3A_449 = arith.muli %scan3A_447, %mul3A_448 : i32
          %add3A_450 = vector.broadcast %mul3A_449 : i32 to vector<16xi32>
          %add3A_451 = arith.addi %iota3A, %add3A_450 : vector<16xi32>
          %shift_left3A_452 = arith.constant 4 : i32
          %shift_left3A_453 = vector.broadcast %shift_left3A_452 : i32 to vector<16xi32>
          %shift_left3A_454 = arith.shli %add3A_451, %shift_left3A_453 : vector<16xi32>
          %broadcast_in_dim3A_455 = arith.constant 0 : i32
          %broadcast_in_dim3A_456 = vector.broadcast %broadcast_in_dim3A_455 : i32 to vector<16xi32>
          %sub3A_457 = arith.constant 12 : i32
          %sub3A_458 = arith.subi %sub3A_457, %squeeze3A : i32
          %shift_right_arithmetic3A_459 = vector.broadcast %sub3A_458 : i32 to vector<16xi32>
          %shift_right_arithmetic3A_460 = arith.shrsi %shift_left3A_454, %shift_right_arithmetic3A_459 : vector<16xi32>
          %and3A_461 = arith.constant 1 : i32
          %and3A_462 = vector.broadcast %and3A_461 : i32 to vector<16xi32>
          %and3A_463 = arith.andi %shift_right_arithmetic3A_460, %and3A_462 : vector<16xi32>
          %shift_left3A_464 = arith.constant 12 : i32
          %shift_left3A_465 = vector.broadcast %shift_left3A_464 : i32 to vector<16xi32>
          %shift_left3A_466 = arith.shli %and3A_463, %shift_left3A_465 : vector<16xi32>
          %add3A_467 = arith.addi %broadcast_in_dim3A_456, %shift_left3A_466 : vector<16xi32>
          %sub3A_468 = arith.constant 12 : i32
          %sub3A_469 = arith.subi %sub3A_468, %squeeze3A_276 : i32
          %shift_right_arithmetic3A_470 = vector.broadcast %sub3A_469 : i32 to vector<16xi32>
          %shift_right_arithmetic3A_471 = arith.shrsi %shift_left3A_454, %shift_right_arithmetic3A_470 : vector<16xi32>
          %and3A_472 = arith.constant 1 : i32
          %and3A_473 = vector.broadcast %and3A_472 : i32 to vector<16xi32>
          %and3A_474 = arith.andi %shift_right_arithmetic3A_471, %and3A_473 : vector<16xi32>
          %shift_left3A_475 = arith.constant 11 : i32
          %shift_left3A_476 = vector.broadcast %shift_left3A_475 : i32 to vector<16xi32>
          %shift_left3A_477 = arith.shli %and3A_474, %shift_left3A_476 : vector<16xi32>
          %add3A_478 = arith.addi %add3A_467, %shift_left3A_477 : vector<16xi32>
          %sub3A_479 = arith.constant 12 : i32
          %sub3A_480 = arith.subi %sub3A_479, %squeeze3A_278 : i32
          %shift_right_arithmetic3A_481 = vector.broadcast %sub3A_480 : i32 to vector<16xi32>
          %shift_right_arithmetic3A_482 = arith.shrsi %shift_left3A_454, %shift_right_arithmetic3A_481 : vector<16xi32>
          %and3A_483 = arith.constant 1 : i32
          %and3A_484 = vector.broadcast %and3A_483 : i32 to vector<16xi32>
          %and3A_485 = arith.andi %shift_right_arithmetic3A_482, %and3A_484 : vector<16xi32>
          %shift_left3A_486 = arith.constant 10 : i32
          %shift_left3A_487 = vector.broadcast %shift_left3A_486 : i32 to vector<16xi32>
          %shift_left3A_488 = arith.shli %and3A_485, %shift_left3A_487 : vector<16xi32>
          %add3A_489 = arith.addi %add3A_478, %shift_left3A_488 : vector<16xi32>
          %sub3A_490 = arith.constant 12 : i32
          %sub3A_491 = arith.subi %sub3A_490, %squeeze3A_280 : i32
          %shift_right_arithmetic3A_492 = vector.broadcast %sub3A_491 : i32 to vector<16xi32>
          %shift_right_arithmetic3A_493 = arith.shrsi %shift_left3A_454, %shift_right_arithmetic3A_492 : vector<16xi32>
          %and3A_494 = arith.constant 1 : i32
          %and3A_495 = vector.broadcast %and3A_494 : i32 to vector<16xi32>
          %and3A_496 = arith.andi %shift_right_arithmetic3A_493, %and3A_495 : vector<16xi32>
          %shift_left3A_497 = arith.constant 9 : i32
          %shift_left3A_498 = vector.broadcast %shift_left3A_497 : i32 to vector<16xi32>
          %shift_left3A_499 = arith.shli %and3A_496, %shift_left3A_498 : vector<16xi32>
          %add3A_500 = arith.addi %add3A_489, %shift_left3A_499 : vector<16xi32>
          %sub3A_501 = arith.constant 12 : i32
          %sub3A_502 = arith.subi %sub3A_501, %squeeze3A_282 : i32
          %shift_right_arithmetic3A_503 = vector.broadcast %sub3A_502 : i32 to vector<16xi32>
          %shift_right_arithmetic3A_504 = arith.shrsi %shift_left3A_454, %shift_right_arithmetic3A_503 : vector<16xi32>
          %and3A_505 = arith.constant 1 : i32
          %and3A_506 = vector.broadcast %and3A_505 : i32 to vector<16xi32>
          %and3A_507 = arith.andi %shift_right_arithmetic3A_504, %and3A_506 : vector<16xi32>
          %shift_left3A_508 = arith.constant 8 : i32
          %shift_left3A_509 = vector.broadcast %shift_left3A_508 : i32 to vector<16xi32>
          %shift_left3A_510 = arith.shli %and3A_507, %shift_left3A_509 : vector<16xi32>
          %add3A_511 = arith.addi %add3A_500, %shift_left3A_510 : vector<16xi32>
          %sub3A_512 = arith.constant 12 : i32
          %sub3A_513 = arith.subi %sub3A_512, %squeeze3A_284 : i32
          %shift_right_arithmetic3A_514 = vector.broadcast %sub3A_513 : i32 to vector<16xi32>
          %shift_right_arithmetic3A_515 = arith.shrsi %shift_left3A_454, %shift_right_arithmetic3A_514 : vector<16xi32>
          %and3A_516 = arith.constant 1 : i32
          %and3A_517 = vector.broadcast %and3A_516 : i32 to vector<16xi32>
          %and3A_518 = arith.andi %shift_right_arithmetic3A_515, %and3A_517 : vector<16xi32>
          %shift_left3A_519 = arith.constant 7 : i32
          %shift_left3A_520 = vector.broadcast %shift_left3A_519 : i32 to vector<16xi32>
          %shift_left3A_521 = arith.shli %and3A_518, %shift_left3A_520 : vector<16xi32>
          %add3A_522 = arith.addi %add3A_511, %shift_left3A_521 : vector<16xi32>
          %sub3A_523 = arith.constant 12 : i32
          %sub3A_524 = arith.subi %sub3A_523, %squeeze3A_286 : i32
          %shift_right_arithmetic3A_525 = vector.broadcast %sub3A_524 : i32 to vector<16xi32>
          %shift_right_arithmetic3A_526 = arith.shrsi %shift_left3A_454, %shift_right_arithmetic3A_525 : vector<16xi32>
          %and3A_527 = arith.constant 1 : i32
          %and3A_528 = vector.broadcast %and3A_527 : i32 to vector<16xi32>
          %and3A_529 = arith.andi %shift_right_arithmetic3A_526, %and3A_528 : vector<16xi32>
          %shift_left3A_530 = arith.constant 6 : i32
          %shift_left3A_531 = vector.broadcast %shift_left3A_530 : i32 to vector<16xi32>
          %shift_left3A_532 = arith.shli %and3A_529, %shift_left3A_531 : vector<16xi32>
          %add3A_533 = arith.addi %add3A_522, %shift_left3A_532 : vector<16xi32>
          %sub3A_534 = arith.constant 12 : i32
          %sub3A_535 = arith.subi %sub3A_534, %squeeze3A_288 : i32
          %shift_right_arithmetic3A_536 = vector.broadcast %sub3A_535 : i32 to vector<16xi32>
          %shift_right_arithmetic3A_537 = arith.shrsi %shift_left3A_454, %shift_right_arithmetic3A_536 : vector<16xi32>
          %and3A_538 = arith.constant 1 : i32
          %and3A_539 = vector.broadcast %and3A_538 : i32 to vector<16xi32>
          %and3A_540 = arith.andi %shift_right_arithmetic3A_537, %and3A_539 : vector<16xi32>
          %shift_left3A_541 = arith.constant 5 : i32
          %shift_left3A_542 = vector.broadcast %shift_left3A_541 : i32 to vector<16xi32>
          %shift_left3A_543 = arith.shli %and3A_540, %shift_left3A_542 : vector<16xi32>
          %add3A_544 = arith.addi %add3A_533, %shift_left3A_543 : vector<16xi32>
          %sub3A_545 = arith.constant 12 : i32
          %sub3A_546 = arith.subi %sub3A_545, %squeeze3A_290 : i32
          %shift_right_arithmetic3A_547 = vector.broadcast %sub3A_546 : i32 to vector<16xi32>
          %shift_right_arithmetic3A_548 = arith.shrsi %shift_left3A_454, %shift_right_arithmetic3A_547 : vector<16xi32>
          %and3A_549 = arith.constant 1 : i32
          %and3A_550 = vector.broadcast %and3A_549 : i32 to vector<16xi32>
          %and3A_551 = arith.andi %shift_right_arithmetic3A_548, %and3A_550 : vector<16xi32>
          %shift_left3A_552 = arith.constant 4 : i32
          %shift_left3A_553 = vector.broadcast %shift_left3A_552 : i32 to vector<16xi32>
          %shift_left3A_554 = arith.shli %and3A_551, %shift_left3A_553 : vector<16xi32>
          %add3A_555 = arith.addi %add3A_544, %shift_left3A_554 : vector<16xi32>
          %sub3A_556 = arith.constant 12 : i32
          %sub3A_557 = arith.subi %sub3A_556, %squeeze3A_292 : i32
          %shift_right_arithmetic3A_558 = vector.broadcast %sub3A_557 : i32 to vector<16xi32>
          %shift_right_arithmetic3A_559 = arith.shrsi %shift_left3A_454, %shift_right_arithmetic3A_558 : vector<16xi32>
          %and3A_560 = arith.constant 1 : i32
          %and3A_561 = vector.broadcast %and3A_560 : i32 to vector<16xi32>
          %and3A_562 = arith.andi %shift_right_arithmetic3A_559, %and3A_561 : vector<16xi32>
          %shift_left3A_563 = arith.constant 3 : i32
          %shift_left3A_564 = vector.broadcast %shift_left3A_563 : i32 to vector<16xi32>
          %shift_left3A_565 = arith.shli %and3A_562, %shift_left3A_564 : vector<16xi32>
          %add3A_566 = arith.addi %add3A_555, %shift_left3A_565 : vector<16xi32>
          %sub3A_567 = arith.constant 12 : i32
          %sub3A_568 = arith.subi %sub3A_567, %squeeze3A_294 : i32
          %shift_right_arithmetic3A_569 = vector.broadcast %sub3A_568 : i32 to vector<16xi32>
          %shift_right_arithmetic3A_570 = arith.shrsi %shift_left3A_454, %shift_right_arithmetic3A_569 : vector<16xi32>
          %and3A_571 = arith.constant 1 : i32
          %and3A_572 = vector.broadcast %and3A_571 : i32 to vector<16xi32>
          %and3A_573 = arith.andi %shift_right_arithmetic3A_570, %and3A_572 : vector<16xi32>
          %shift_left3A_574 = arith.constant 2 : i32
          %shift_left3A_575 = vector.broadcast %shift_left3A_574 : i32 to vector<16xi32>
          %shift_left3A_576 = arith.shli %and3A_573, %shift_left3A_575 : vector<16xi32>
          %add3A_577 = arith.addi %add3A_566, %shift_left3A_576 : vector<16xi32>
          %sub3A_578 = arith.constant 12 : i32
          %sub3A_579 = arith.subi %sub3A_578, %squeeze3A_296 : i32
          %shift_right_arithmetic3A_580 = vector.broadcast %sub3A_579 : i32 to vector<16xi32>
          %shift_right_arithmetic3A_581 = arith.shrsi %shift_left3A_454, %shift_right_arithmetic3A_580 : vector<16xi32>
          %and3A_582 = arith.constant 1 : i32
          %and3A_583 = vector.broadcast %and3A_582 : i32 to vector<16xi32>
          %and3A_584 = arith.andi %shift_right_arithmetic3A_581, %and3A_583 : vector<16xi32>
          %shift_left3A_585 = arith.constant 1 : i32
          %shift_left3A_586 = vector.broadcast %shift_left3A_585 : i32 to vector<16xi32>
          %shift_left3A_587 = arith.shli %and3A_584, %shift_left3A_586 : vector<16xi32>
          %add3A_588 = arith.addi %add3A_577, %shift_left3A_587 : vector<16xi32>
          %sub3A_589 = arith.constant 12 : i32
          %sub3A_590 = arith.subi %sub3A_589, %squeeze3A_298 : i32
          %shift_right_arithmetic3A_591 = vector.broadcast %sub3A_590 : i32 to vector<16xi32>
          %shift_right_arithmetic3A_592 = arith.shrsi %shift_left3A_454, %shift_right_arithmetic3A_591 : vector<16xi32>
          %and3A_593 = arith.constant 1 : i32
          %and3A_594 = vector.broadcast %and3A_593 : i32 to vector<16xi32>
          %and3A_595 = arith.andi %shift_right_arithmetic3A_592, %and3A_594 : vector<16xi32>
          %shift_left3A_596 = arith.constant 0 : i32
          %shift_left3A_597 = vector.broadcast %shift_left3A_596 : i32 to vector<16xi32>
          %shift_left3A_598 = arith.shli %and3A_595, %shift_left3A_597 : vector<16xi32>
          %add3A_599 = arith.addi %add3A_588, %shift_left3A_598 : vector<16xi32>
          %slice3A_600 = vector.extract_strided_slice %add3A_599 {offsets = [0], sizes = [1], strides = [1]} : vector<16xi32> to vector<1xi32>
          %squeeze3A_601 = vector.extract %slice3A_600[0] : i32 from vector<1xi32>
          %add3A_602 = vector.broadcast %squeeze3A_601 : i32 to vector<16xi32>
          %add3A_603 = arith.addi %add3A_439, %add3A_602 : vector<16xi32>
          %gather3A = tpu.vector_load_idx %arg7[%add3A_603] : memref<8192xf32, #tpu.memory_space<vmem>>[vector<16xi32>], vector<16xf32>,
          %mul3A_604 = arith.constant 16 : i32
          %mul3A_605 = arith.muli %scan3A_447, %mul3A_604 : i32
          %add3A_606 = arith.constant 0 : i32
          %add3A_607 = arith.addi %mul3A_605, %add3A_606 : i32
          %mul3A_608 = arith.constant 16 : i32
          %mul3A_609 = arith.muli %add3A_607, %mul3A_608 : i32
          %add3A_610 = vector.broadcast %mul3A_609 : i32 to vector<16xi32>
          %add3A_611 = arith.addi %add3A_610, %iota3A : vector<16xi32>
          tpu.vector_store_idx %arg8[%add3A_611, %broadcast_in_dim3A_440], %gather3A : memref<8192x2xf32, #tpu.memory_space<vmem>>[vector<16xi32>, vector<16xi32>], vector<16xf32>,
          %slice3A_612 = vector.extract_strided_slice %add3A_599 {offsets = [1], sizes = [1], strides = [1]} : vector<16xi32> to vector<1xi32>
          %squeeze3A_613 = vector.extract %slice3A_612[0] : i32 from vector<1xi32>
          %add3A_614 = vector.broadcast %squeeze3A_613 : i32 to vector<16xi32>
          %add3A_615 = arith.addi %add3A_439, %add3A_614 : vector<16xi32>
          %gather3A_616 = tpu.vector_load_idx %arg7[%add3A_615] : memref<8192xf32, #tpu.memory_space<vmem>>[vector<16xi32>], vector<16xf32>,
          %mul3A_617 = arith.constant 16 : i32
          %mul3A_618 = arith.muli %scan3A_447, %mul3A_617 : i32
          %add3A_619 = arith.constant 1 : i32
          %add3A_620 = arith.addi %mul3A_618, %add3A_619 : i32
          %mul3A_621 = arith.constant 16 : i32
          %mul3A_622 = arith.muli %add3A_620, %mul3A_621 : i32
          %add3A_623 = vector.broadcast %mul3A_622 : i32 to vector<16xi32>
          %add3A_624 = arith.addi %add3A_623, %iota3A : vector<16xi32>
          tpu.vector_store_idx %arg8[%add3A_624, %broadcast_in_dim3A_440], %gather3A_616 : memref<8192x2xf32, #tpu.memory_space<vmem>>[vector<16xi32>, vector<16xi32>], vector<16xf32>,
          %slice3A_625 = vector.extract_strided_slice %add3A_599 {offsets = [2], sizes = [1], strides = [1]} : vector<16xi32> to vector<1xi32>
          %squeeze3A_626 = vector.extract %slice3A_625[0] : i32 from vector<1xi32>
          %add3A_627 = vector.broadcast %squeeze3A_626 : i32 to vector<16xi32>
          %add3A_628 = arith.addi %add3A_439, %add3A_627 : vector<16xi32>
          %gather3A_629 = tpu.vector_load_idx %arg7[%add3A_628] : memref<8192xf32, #tpu.memory_space<vmem>>[vector<16xi32>], vector<16xf32>,
          %mul3A_630 = arith.constant 16 : i32
          %mul3A_631 = arith.muli %scan3A_447, %mul3A_630 : i32
          %add3A_632 = arith.constant 2 : i32
          %add3A_633 = arith.addi %mul3A_631, %add3A_632 : i32
          %mul3A_634 = arith.constant 16 : i32
          %mul3A_635 = arith.muli %add3A_633, %mul3A_634 : i32
          %add3A_636 = vector.broadcast %mul3A_635 : i32 to vector<16xi32>
          %add3A_637 = arith.addi %add3A_636, %iota3A : vector<16xi32>
          tpu.vector_store_idx %arg8[%add3A_637, %broadcast_in_dim3A_440], %gather3A_629 : memref<8192x2xf32, #tpu.memory_space<vmem>>[vector<16xi32>, vector<16xi32>], vector<16xf32>,
          %slice3A_638 = vector.extract_strided_slice %add3A_599 {offsets = [3], sizes = [1], strides = [1]} : vector<16xi32> to vector<1xi32>
          %squeeze3A_639 = vector.extract %slice3A_638[0] : i32 from vector<1xi32>
          %add3A_640 = vector.broadcast %squeeze3A_639 : i32 to vector<16xi32>
          %add3A_641 = arith.addi %add3A_439, %add3A_640 : vector<16xi32>
          %gather3A_642 = tpu.vector_load_idx %arg7[%add3A_641] : memref<8192xf32, #tpu.memory_space<vmem>>[vector<16xi32>], vector<16xf32>,
          %mul3A_643 = arith.constant 16 : i32
          %mul3A_644 = arith.muli %scan3A_447, %mul3A_643 : i32
          %add3A_645 = arith.constant 3 : i32
          %add3A_646 = arith.addi %mul3A_644, %add3A_645 : i32
          %mul3A_647 = arith.constant 16 : i32
          %mul3A_648 = arith.muli %add3A_646, %mul3A_647 : i32
          %add3A_649 = vector.broadcast %mul3A_648 : i32 to vector<16xi32>
          %add3A_650 = arith.addi %add3A_649, %iota3A : vector<16xi32>
          tpu.vector_store_idx %arg8[%add3A_650, %broadcast_in_dim3A_440], %gather3A_642 : memref<8192x2xf32, #tpu.memory_space<vmem>>[vector<16xi32>, vector<16xi32>], vector<16xf32>,
          %slice3A_651 = vector.extract_strided_slice %add3A_599 {offsets = [4], sizes = [1], strides = [1]} : vector<16xi32> to vector<1xi32>
          %squeeze3A_652 = vector.extract %slice3A_651[0] : i32 from vector<1xi32>
          %add3A_653 = vector.broadcast %squeeze3A_652 : i32 to vector<16xi32>
          %add3A_654 = arith.addi %add3A_439, %add3A_653 : vector<16xi32>
          %gather3A_655 = tpu.vector_load_idx %arg7[%add3A_654] : memref<8192xf32, #tpu.memory_space<vmem>>[vector<16xi32>], vector<16xf32>,
          %mul3A_656 = arith.constant 16 : i32
          %mul3A_657 = arith.muli %scan3A_447, %mul3A_656 : i32
          %add3A_658 = arith.constant 4 : i32
          %add3A_659 = arith.addi %mul3A_657, %add3A_658 : i32
          %mul3A_660 = arith.constant 16 : i32
          %mul3A_661 = arith.muli %add3A_659, %mul3A_660 : i32
          %add3A_662 = vector.broadcast %mul3A_661 : i32 to vector<16xi32>
          %add3A_663 = arith.addi %add3A_662, %iota3A : vector<16xi32>
          tpu.vector_store_idx %arg8[%add3A_663, %broadcast_in_dim3A_440], %gather3A_655 : memref<8192x2xf32, #tpu.memory_space<vmem>>[vector<16xi32>, vector<16xi32>], vector<16xf32>,
          %slice3A_664 = vector.extract_strided_slice %add3A_599 {offsets = [5], sizes = [1], strides = [1]} : vector<16xi32> to vector<1xi32>
          %squeeze3A_665 = vector.extract %slice3A_664[0] : i32 from vector<1xi32>
          %add3A_666 = vector.broadcast %squeeze3A_665 : i32 to vector<16xi32>
          %add3A_667 = arith.addi %add3A_439, %add3A_666 : vector<16xi32>
          %gather3A_668 = tpu.vector_load_idx %arg7[%add3A_667] : memref<8192xf32, #tpu.memory_space<vmem>>[vector<16xi32>], vector<16xf32>,
          %mul3A_669 = arith.constant 16 : i32
          %mul3A_670 = arith.muli %scan3A_447, %mul3A_669 : i32
          %add3A_671 = arith.constant 5 : i32
          %add3A_672 = arith.addi %mul3A_670, %add3A_671 : i32
          %mul3A_673 = arith.constant 16 : i32
          %mul3A_674 = arith.muli %add3A_672, %mul3A_673 : i32
          %add3A_675 = vector.broadcast %mul3A_674 : i32 to vector<16xi32>
          %add3A_676 = arith.addi %add3A_675, %iota3A : vector<16xi32>
          tpu.vector_store_idx %arg8[%add3A_676, %broadcast_in_dim3A_440], %gather3A_668 : memref<8192x2xf32, #tpu.memory_space<vmem>>[vector<16xi32>, vector<16xi32>], vector<16xf32>,
          %slice3A_677 = vector.extract_strided_slice %add3A_599 {offsets = [6], sizes = [1], strides = [1]} : vector<16xi32> to vector<1xi32>
          %squeeze3A_678 = vector.extract %slice3A_677[0] : i32 from vector<1xi32>
          %add3A_679 = vector.broadcast %squeeze3A_678 : i32 to vector<16xi32>
          %add3A_680 = arith.addi %add3A_439, %add3A_679 : vector<16xi32>
          %gather3A_681 = tpu.vector_load_idx %arg7[%add3A_680] : memref<8192xf32, #tpu.memory_space<vmem>>[vector<16xi32>], vector<16xf32>,
          %mul3A_682 = arith.constant 16 : i32
          %mul3A_683 = arith.muli %scan3A_447, %mul3A_682 : i32
          %add3A_684 = arith.constant 6 : i32
          %add3A_685 = arith.addi %mul3A_683, %add3A_684 : i32
          %mul3A_686 = arith.constant 16 : i32
          %mul3A_687 = arith.muli %add3A_685, %mul3A_686 : i32
          %add3A_688 = vector.broadcast %mul3A_687 : i32 to vector<16xi32>
          %add3A_689 = arith.addi %add3A_688, %iota3A : vector<16xi32>
          tpu.vector_store_idx %arg8[%add3A_689, %broadcast_in_dim3A_440], %gather3A_681 : memref<8192x2xf32, #tpu.memory_space<vmem>>[vector<16xi32>, vector<16xi32>], vector<16xf32>,
          %slice3A_690 = vector.extract_strided_slice %add3A_599 {offsets = [7], sizes = [1], strides = [1]} : vector<16xi32> to vector<1xi32>
          %squeeze3A_691 = vector.extract %slice3A_690[0] : i32 from vector<1xi32>
          %add3A_692 = vector.broadcast %squeeze3A_691 : i32 to vector<16xi32>
          %add3A_693 = arith.addi %add3A_439, %add3A_692 : vector<16xi32>
          %gather3A_694 = tpu.vector_load_idx %arg7[%add3A_693] : memref<8192xf32, #tpu.memory_space<vmem>>[vector<16xi32>], vector<16xf32>,
          %mul3A_695 = arith.constant 16 : i32
          %mul3A_696 = arith.muli %scan3A_447, %mul3A_695 : i32
          %add3A_697 = arith.constant 7 : i32
          %add3A_698 = arith.addi %mul3A_696, %add3A_697 : i32
          %mul3A_699 = arith.constant 16 : i32
          %mul3A_700 = arith.muli %add3A_698, %mul3A_699 : i32
          %add3A_701 = vector.broadcast %mul3A_700 : i32 to vector<16xi32>
          %add3A_702 = arith.addi %add3A_701, %iota3A : vector<16xi32>
          tpu.vector_store_idx %arg8[%add3A_702, %broadcast_in_dim3A_440], %gather3A_694 : memref<8192x2xf32, #tpu.memory_space<vmem>>[vector<16xi32>, vector<16xi32>], vector<16xf32>,
          %slice3A_703 = vector.extract_strided_slice %add3A_599 {offsets = [8], sizes = [1], strides = [1]} : vector<16xi32> to vector<1xi32>
          %squeeze3A_704 = vector.extract %slice3A_703[0] : i32 from vector<1xi32>
          %add3A_705 = vector.broadcast %squeeze3A_704 : i32 to vector<16xi32>
          %add3A_706 = arith.addi %add3A_439, %add3A_705 : vector<16xi32>
          %gather3A_707 = tpu.vector_load_idx %arg7[%add3A_706] : memref<8192xf32, #tpu.memory_space<vmem>>[vector<16xi32>], vector<16xf32>,
          %mul3A_708 = arith.constant 16 : i32
          %mul3A_709 = arith.muli %scan3A_447, %mul3A_708 : i32
          %add3A_710 = arith.constant 8 : i32
          %add3A_711 = arith.addi %mul3A_709, %add3A_710 : i32
          %mul3A_712 = arith.constant 16 : i32
          %mul3A_713 = arith.muli %add3A_711, %mul3A_712 : i32
          %add3A_714 = vector.broadcast %mul3A_713 : i32 to vector<16xi32>
          %add3A_715 = arith.addi %add3A_714, %iota3A : vector<16xi32>
          tpu.vector_store_idx %arg8[%add3A_715, %broadcast_in_dim3A_440], %gather3A_707 : memref<8192x2xf32, #tpu.memory_space<vmem>>[vector<16xi32>, vector<16xi32>], vector<16xf32>,
          %slice3A_716 = vector.extract_strided_slice %add3A_599 {offsets = [9], sizes = [1], strides = [1]} : vector<16xi32> to vector<1xi32>
          %squeeze3A_717 = vector.extract %slice3A_716[0] : i32 from vector<1xi32>
          %add3A_718 = vector.broadcast %squeeze3A_717 : i32 to vector<16xi32>
          %add3A_719 = arith.addi %add3A_439, %add3A_718 : vector<16xi32>
          %gather3A_720 = tpu.vector_load_idx %arg7[%add3A_719] : memref<8192xf32, #tpu.memory_space<vmem>>[vector<16xi32>], vector<16xf32>,
          %mul3A_721 = arith.constant 16 : i32
          %mul3A_722 = arith.muli %scan3A_447, %mul3A_721 : i32
          %add3A_723 = arith.constant 9 : i32
          %add3A_724 = arith.addi %mul3A_722, %add3A_723 : i32
          %mul3A_725 = arith.constant 16 : i32
          %mul3A_726 = arith.muli %add3A_724, %mul3A_725 : i32
          %add3A_727 = vector.broadcast %mul3A_726 : i32 to vector<16xi32>
          %add3A_728 = arith.addi %add3A_727, %iota3A : vector<16xi32>
          tpu.vector_store_idx %arg8[%add3A_728, %broadcast_in_dim3A_440], %gather3A_720 : memref<8192x2xf32, #tpu.memory_space<vmem>>[vector<16xi32>, vector<16xi32>], vector<16xf32>,
          %slice3A_729 = vector.extract_strided_slice %add3A_599 {offsets = [10], sizes = [1], strides = [1]} : vector<16xi32> to vector<1xi32>
          %squeeze3A_730 = vector.extract %slice3A_729[0] : i32 from vector<1xi32>
          %add3A_731 = vector.broadcast %squeeze3A_730 : i32 to vector<16xi32>
          %add3A_732 = arith.addi %add3A_439, %add3A_731 : vector<16xi32>
          %gather3A_733 = tpu.vector_load_idx %arg7[%add3A_732] : memref<8192xf32, #tpu.memory_space<vmem>>[vector<16xi32>], vector<16xf32>,
          %mul3A_734 = arith.constant 16 : i32
          %mul3A_735 = arith.muli %scan3A_447, %mul3A_734 : i32
          %add3A_736 = arith.constant 10 : i32
          %add3A_737 = arith.addi %mul3A_735, %add3A_736 : i32
          %mul3A_738 = arith.constant 16 : i32
          %mul3A_739 = arith.muli %add3A_737, %mul3A_738 : i32
          %add3A_740 = vector.broadcast %mul3A_739 : i32 to vector<16xi32>
          %add3A_741 = arith.addi %add3A_740, %iota3A : vector<16xi32>
          tpu.vector_store_idx %arg8[%add3A_741, %broadcast_in_dim3A_440], %gather3A_733 : memref<8192x2xf32, #tpu.memory_space<vmem>>[vector<16xi32>, vector<16xi32>], vector<16xf32>,
          %slice3A_742 = vector.extract_strided_slice %add3A_599 {offsets = [11], sizes = [1], strides = [1]} : vector<16xi32> to vector<1xi32>
          %squeeze3A_743 = vector.extract %slice3A_742[0] : i32 from vector<1xi32>
          %add3A_744 = vector.broadcast %squeeze3A_743 : i32 to vector<16xi32>
          %add3A_745 = arith.addi %add3A_439, %add3A_744 : vector<16xi32>
          %gather3A_746 = tpu.vector_load_idx %arg7[%add3A_745] : memref<8192xf32, #tpu.memory_space<vmem>>[vector<16xi32>], vector<16xf32>,
          %mul3A_747 = arith.constant 16 : i32
          %mul3A_748 = arith.muli %scan3A_447, %mul3A_747 : i32
          %add3A_749 = arith.constant 11 : i32
          %add3A_750 = arith.addi %mul3A_748, %add3A_749 : i32
          %mul3A_751 = arith.constant 16 : i32
          %mul3A_752 = arith.muli %add3A_750, %mul3A_751 : i32
          %add3A_753 = vector.broadcast %mul3A_752 : i32 to vector<16xi32>
          %add3A_754 = arith.addi %add3A_753, %iota3A : vector<16xi32>
          tpu.vector_store_idx %arg8[%add3A_754, %broadcast_in_dim3A_440], %gather3A_746 : memref<8192x2xf32, #tpu.memory_space<vmem>>[vector<16xi32>, vector<16xi32>], vector<16xf32>,
          %slice3A_755 = vector.extract_strided_slice %add3A_599 {offsets = [12], sizes = [1], strides = [1]} : vector<16xi32> to vector<1xi32>
          %squeeze3A_756 = vector.extract %slice3A_755[0] : i32 from vector<1xi32>
          %add3A_757 = vector.broadcast %squeeze3A_756 : i32 to vector<16xi32>
          %add3A_758 = arith.addi %add3A_439, %add3A_757 : vector<16xi32>
          %gather3A_759 = tpu.vector_load_idx %arg7[%add3A_758] : memref<8192xf32, #tpu.memory_space<vmem>>[vector<16xi32>], vector<16xf32>,
          %mul3A_760 = arith.constant 16 : i32
          %mul3A_761 = arith.muli %scan3A_447, %mul3A_760 : i32
          %add3A_762 = arith.constant 12 : i32
          %add3A_763 = arith.addi %mul3A_761, %add3A_762 : i32
          %mul3A_764 = arith.constant 16 : i32
          %mul3A_765 = arith.muli %add3A_763, %mul3A_764 : i32
          %add3A_766 = vector.broadcast %mul3A_765 : i32 to vector<16xi32>
          %add3A_767 = arith.addi %add3A_766, %iota3A : vector<16xi32>
          tpu.vector_store_idx %arg8[%add3A_767, %broadcast_in_dim3A_440], %gather3A_759 : memref<8192x2xf32, #tpu.memory_space<vmem>>[vector<16xi32>, vector<16xi32>], vector<16xf32>,
          %slice3A_768 = vector.extract_strided_slice %add3A_599 {offsets = [13], sizes = [1], strides = [1]} : vector<16xi32> to vector<1xi32>
          %squeeze3A_769 = vector.extract %slice3A_768[0] : i32 from vector<1xi32>
          %add3A_770 = vector.broadcast %squeeze3A_769 : i32 to vector<16xi32>
          %add3A_771 = arith.addi %add3A_439, %add3A_770 : vector<16xi32>
          %gather3A_772 = tpu.vector_load_idx %arg7[%add3A_771] : memref<8192xf32, #tpu.memory_space<vmem>>[vector<16xi32>], vector<16xf32>,
          %mul3A_773 = arith.constant 16 : i32
          %mul3A_774 = arith.muli %scan3A_447, %mul3A_773 : i32
          %add3A_775 = arith.constant 13 : i32
          %add3A_776 = arith.addi %mul3A_774, %add3A_775 : i32
          %mul3A_777 = arith.constant 16 : i32
          %mul3A_778 = arith.muli %add3A_776, %mul3A_777 : i32
          %add3A_779 = vector.broadcast %mul3A_778 : i32 to vector<16xi32>
          %add3A_780 = arith.addi %add3A_779, %iota3A : vector<16xi32>
          tpu.vector_store_idx %arg8[%add3A_780, %broadcast_in_dim3A_440], %gather3A_772 : memref<8192x2xf32, #tpu.memory_space<vmem>>[vector<16xi32>, vector<16xi32>], vector<16xf32>,
          %slice3A_781 = vector.extract_strided_slice %add3A_599 {offsets = [14], sizes = [1], strides = [1]} : vector<16xi32> to vector<1xi32>
          %squeeze3A_782 = vector.extract %slice3A_781[0] : i32 from vector<1xi32>
          %add3A_783 = vector.broadcast %squeeze3A_782 : i32 to vector<16xi32>
          %add3A_784 = arith.addi %add3A_439, %add3A_783 : vector<16xi32>
          %gather3A_785 = tpu.vector_load_idx %arg7[%add3A_784] : memref<8192xf32, #tpu.memory_space<vmem>>[vector<16xi32>], vector<16xf32>,
          %mul3A_786 = arith.constant 16 : i32
          %mul3A_787 = arith.muli %scan3A_447, %mul3A_786 : i32
          %add3A_788 = arith.constant 14 : i32
          %add3A_789 = arith.addi %mul3A_787, %add3A_788 : i32
          %mul3A_790 = arith.constant 16 : i32
          %mul3A_791 = arith.muli %add3A_789, %mul3A_790 : i32
          %add3A_792 = vector.broadcast %mul3A_791 : i32 to vector<16xi32>
          %add3A_793 = arith.addi %add3A_792, %iota3A : vector<16xi32>
          tpu.vector_store_idx %arg8[%add3A_793, %broadcast_in_dim3A_440], %gather3A_785 : memref<8192x2xf32, #tpu.memory_space<vmem>>[vector<16xi32>, vector<16xi32>], vector<16xf32>,
          %slice3A_794 = vector.extract_strided_slice %add3A_599 {offsets = [15], sizes = [1], strides = [1]} : vector<16xi32> to vector<1xi32>
          %squeeze3A_795 = vector.extract %slice3A_794[0] : i32 from vector<1xi32>
          %add3A_796 = vector.broadcast %squeeze3A_795 : i32 to vector<16xi32>
          %add3A_797 = arith.addi %add3A_439, %add3A_796 : vector<16xi32>
          %gather3A_798 = tpu.vector_load_idx %arg7[%add3A_797] : memref<8192xf32, #tpu.memory_space<vmem>>[vector<16xi32>], vector<16xf32>,
          %mul3A_799 = arith.constant 16 : i32
          %mul3A_800 = arith.muli %scan3A_447, %mul3A_799 : i32
          %add3A_801 = arith.constant 15 : i32
          %add3A_802 = arith.addi %mul3A_800, %add3A_801 : i32
          %mul3A_803 = arith.constant 16 : i32
          %mul3A_804 = arith.muli %add3A_802, %mul3A_803 : i32
          %add3A_805 = vector.broadcast %mul3A_804 : i32 to vector<16xi32>
          %add3A_806 = arith.addi %add3A_805, %iota3A : vector<16xi32>
          tpu.vector_store_idx %arg8[%add3A_806, %broadcast_in_dim3A_440], %gather3A_798 : memref<8192x2xf32, #tpu.memory_space<vmem>>[vector<16xi32>, vector<16xi32>], vector<16xf32>,
        }
        %scan3A_446 = arith.constant 32 : i32
      }
      %mul3A_257 = arith.constant 4 : i32
      %mul3A_258 = arith.muli %arg1, %mul3A_257 : i32
      %mul3A_259 = arith.constant 2 : i32
      %mul3A_260 = arith.muli %scan3A_242, %mul3A_259 : i32
      %add3A_261 = arith.addi %mul3A_258, %mul3A_260 : i32
      "tpu.region"() ({
        %run_scoped3A = tpu.sem_alloc : memref<!tpu.dma_semaphore, #tpu.memory_space<semaphore_mem>>
        %dma_start3A_262 = arith.constant 0 : i32
        %dma_start3A_263 = tpu.memref_slice %arg9[%dma_start3A_262, %add3A_261] : memref<8192x64xf32, #tpu.memory_space<vmem_shared>> -> memref<8192x2xf32, #tpu.memory_space<vmem_shared>>
        %dma_start3A_264 = arith.constant 0 : i32
        %dma_start3A_265 = tpu.memref_slice %arg9[%dma_start3A_264, %add3A_261] : memref<8192x64xf32, #tpu.memory_space<vmem_shared>> -> memref<8192x2xf32, #tpu.memory_space<vmem_shared>>
        tpu.enqueue_dma source(%arg8 : memref<8192x2xf32, #tpu.memory_space<vmem>>) target(%dma_start3A_265 : memref<8192x2xf32, #tpu.memory_space<vmem_shared>>) target_semaphore(%run_scoped3A : memref<!tpu.dma_semaphore, #tpu.memory_space<semaphore_mem>>)
        %dma_wait3A_266 = arith.constant 0 : i32
        %dma_wait3A_267 = tpu.memref_slice %arg9[%dma_wait3A_266, %add3A_261] : memref<8192x64xf32, #tpu.memory_space<vmem_shared>> -> memref<8192x2xf32, #tpu.memory_space<vmem_shared>>
        %dma_wait3A_268 = arith.constant 0 : i32
        %dma_wait3A_269 = tpu.memref_slice %arg9[%dma_wait3A_268, %add3A_261] : memref<8192x64xf32, #tpu.memory_space<vmem_shared>> -> memref<8192x2xf32, #tpu.memory_space<vmem_shared>>
        tpu.wait_dma2 semaphore(%run_scoped3A : memref<!tpu.dma_semaphore, #tpu.memory_space<semaphore_mem>>) src(%arg8 : memref<8192x2xf32, #tpu.memory_space<vmem>>) dst(%dma_wait3A_269 : memref<8192x2xf32, #tpu.memory_space<vmem_shared>>)
        tpu.yield
      }) : () -> ()
    }
    %scan3A_12 = arith.constant 2 : i32
    %barrier3A = arith.constant 0 : index
    tpu.barrier barrier_id(%barrier3A)
    %mul3A_13 = arith.constant 64 : i32
    %mul3A_14 = arith.muli %arg0, %mul3A_13 : i32
    %mul3A_15 = arith.constant 64 : i32
    %mul3A_16 = arith.muli %arg1, %mul3A_15 : i32
    %dma_wait3A = arith.constant 0 : i32
    %dma_wait3A_17 = tpu.memref_slice %arg2[%mul3A_16, %dma_wait3A] : memref<1024x128xi32, #tpu.memory_space<hbm>> -> memref<32x128xi32, #tpu.memory_space<hbm>>
    %dma_wait3A_18 = arith.constant 0 : i32
    %dma_wait3A_19 = tpu.memref_slice %arg2[%mul3A_16, %dma_wait3A_18] : memref<1024x128xi32, #tpu.memory_space<hbm>> -> memref<32x128xi32, #tpu.memory_space<hbm>>
    tpu.wait_dma2 semaphore(%arg13 : memref<!tpu.dma_semaphore, #tpu.memory_space<semaphore_mem>>) src(%dma_wait3A_19 : memref<32x128xi32, #tpu.memory_space<hbm>>) dst(%arg10 : memref<32x128xi32, #tpu.memory_space<vmem>>)
    %dma_start3A_20 = arith.constant 0 : i32
    %dma_start3A_21 = arith.constant 0 : i32
    %dma_start3A_22 = tpu.memref_slice %arg10[%dma_start3A_20, %dma_start3A_21] : memref<32x128xi32, #tpu.memory_space<vmem>> -> memref<1x128xi32, #tpu.memory_space<vmem>>
    %dma_start3A_23 = tpu.memref_squeeze %dma_start3A_22 : memref<1x128xi32, #tpu.memory_space<vmem>> -> memref<128xi32, #tpu.memory_space<vmem>>
    %dma_start3A_24 = arith.constant 0 : i32
    %dma_start3A_25 = arith.constant 0 : i32
    %dma_start3A_26 = tpu.memref_slice %arg9[%dma_start3A_24, %dma_start3A_25] : memref<8192x64xf32, #tpu.memory_space<vmem_shared>> -> memref<8192x64xf32, #tpu.memory_space<vmem_shared>>
    tpu.enqueue_indirect_dma source(%dma_start3A_26 : memref<8192x64xf32, #tpu.memory_space<vmem_shared>>) target(%arg11 : memref<128x64xf32, #tpu.memory_space<vmem>>) offsets(%dma_start3A_23 : memref<128xi32, #tpu.memory_space<vmem>>) semaphore(%arg13 : memref<!tpu.dma_semaphore, #tpu.memory_space<semaphore_mem>>)
    %dma_start3A_27 = arith.constant 1 : i32
    %dma_start3A_28 = arith.constant 0 : i32
    %dma_start3A_29 = tpu.memref_slice %arg10[%dma_start3A_27, %dma_start3A_28] : memref<32x128xi32, #tpu.memory_space<vmem>> -> memref<1x128xi32, #tpu.memory_space<vmem>>
    %dma_start3A_30 = tpu.memref_squeeze %dma_start3A_29 : memref<1x128xi32, #tpu.memory_space<vmem>> -> memref<128xi32, #tpu.memory_space<vmem>>
    %dma_start3A_31 = arith.constant 0 : i32
    %dma_start3A_32 = arith.constant 0 : i32
    %dma_start3A_33 = tpu.memref_slice %arg9[%dma_start3A_31, %dma_start3A_32] : memref<8192x64xf32, #tpu.memory_space<vmem_shared>> -> memref<8192x64xf32, #tpu.memory_space<vmem_shared>>
    tpu.enqueue_indirect_dma source(%dma_start3A_33 : memref<8192x64xf32, #tpu.memory_space<vmem_shared>>) target(%arg12 : memref<128x64xf32, #tpu.memory_space<vmem>>) offsets(%dma_start3A_30 : memref<128xi32, #tpu.memory_space<vmem>>) semaphore(%arg14 : memref<!tpu.dma_semaphore, #tpu.memory_space<semaphore_mem>>)
    %dma_wait3A_34 = arith.constant 0 : i32
    %dma_wait3A_35 = arith.constant 0 : i32
    %dma_wait3A_36 = tpu.memref_slice %arg10[%dma_wait3A_34, %dma_wait3A_35] : memref<32x128xi32, #tpu.memory_space<vmem>> -> memref<1x128xi32, #tpu.memory_space<vmem>>
    %dma_wait3A_37 = tpu.memref_squeeze %dma_wait3A_36 : memref<1x128xi32, #tpu.memory_space<vmem>> -> memref<128xi32, #tpu.memory_space<vmem>>
    %dma_wait3A_38 = arith.constant 0 : i32
    %dma_wait3A_39 = arith.constant 0 : i32
    %dma_wait3A_40 = tpu.memref_slice %arg9[%dma_wait3A_38, %dma_wait3A_39] : memref<8192x64xf32, #tpu.memory_space<vmem_shared>> -> memref<8192x64xf32, #tpu.memory_space<vmem_shared>>
    tpu.wait_indirect_dma semaphore(%arg13 : memref<!tpu.dma_semaphore, #tpu.memory_space<semaphore_mem>>) src(%dma_wait3A_40 : memref<8192x64xf32, #tpu.memory_space<vmem_shared>>) dst(%arg11 : memref<128x64xf32, #tpu.memory_space<vmem>>)
    %add3A_41 = arith.constant 0 : i32
    %add3A_42 = arith.addi %mul3A_16, %add3A_41 : i32
    %mul3A_43 = arith.constant 128 : i32
    %mul3A_44 = arith.muli %add3A_42, %mul3A_43 : i32
    %dma_start3A_45 = tpu.memref_slice %arg5[%mul3A_44, %mul3A_14] : memref<131072x128xf32, #tpu.memory_space<hbm>> -> memref<128x64xf32, #tpu.memory_space<hbm>>
    %dma_start3A_46 = tpu.memref_slice %arg5[%mul3A_44, %mul3A_14] : memref<131072x128xf32, #tpu.memory_space<hbm>> -> memref<128x64xf32, #tpu.memory_space<hbm>>
    tpu.enqueue_dma source(%arg11 : memref<128x64xf32, #tpu.memory_space<vmem>>) target(%dma_start3A_46 : memref<128x64xf32, #tpu.memory_space<hbm>>) target_semaphore(%arg15 : memref<!tpu.dma_semaphore, #tpu.memory_space<semaphore_mem>>)
    %scan3A_47 = arith.constant 0 : i32
    %scan3A_48 = arith.constant 0 : i32
    %scan3A_49 = arith.constant 14 : i32
    %scan3A_50 = arith.addi %scan3A_48, %scan3A_49 : i32
    %scan3A_51 = arith.constant 1 : i32
    scf.for %scan3A_242 = %scan3A_48 to %scan3A_50 step %scan3A_51  : i32 {
      %mul3A_243 = arith.constant 2 : i32
      %mul3A_244 = arith.muli %mul3A_243, %scan3A_242 : i32
      %add3A_245 = arith.constant 1 : i32
      %add3A_246 = arith.addi %add3A_245, %mul3A_244 : i32
      %add3A_247 = arith.constant 0 : i32
      %add3A_248 = arith.addi %add3A_246, %add3A_247 : i32
      %dma_wait3A_249 = arith.constant 0 : i32
      %dma_wait3A_250 = arith.constant 0 : i32
      %dma_wait3A_251 = tpu.memref_slice %arg5[%dma_wait3A_249, %dma_wait3A_250] : memref<131072x128xf32, #tpu.memory_space<hbm>> -> memref<128x64xf32, #tpu.memory_space<hbm>>
      %dma_wait3A_252 = arith.constant 0 : i32
      %dma_wait3A_253 = arith.constant 0 : i32
      %dma_wait3A_254 = tpu.memref_slice %arg5[%dma_wait3A_252, %dma_wait3A_253] : memref<131072x128xf32, #tpu.memory_space<hbm>> -> memref<128x64xf32, #tpu.memory_space<hbm>>
      tpu.wait_dma2 semaphore(%arg15 : memref<!tpu.dma_semaphore, #tpu.memory_space<semaphore_mem>>) src(%dma_wait3A_254 : memref<128x64xf32, #tpu.memory_space<hbm>>) dst(%arg11 : memref<128x64xf32, #tpu.memory_space<vmem>>)
      %add3A_255 = arith.constant 1 : i32
      %add3A_256 = arith.addi %add3A_248, %add3A_255 : i32
      %dma_start3A_257 = arith.constant 0 : i32
      %dma_start3A_258 = tpu.memref_slice %arg10[%add3A_256, %dma_start3A_257] : memref<32x128xi32, #tpu.memory_space<vmem>> -> memref<1x128xi32, #tpu.memory_space<vmem>>
      %dma_start3A_259 = tpu.memref_squeeze %dma_start3A_258 : memref<1x128xi32, #tpu.memory_space<vmem>> -> memref<128xi32, #tpu.memory_space<vmem>>
      %dma_start3A_260 = arith.constant 0 : i32
      %dma_start3A_261 = arith.constant 0 : i32
      %dma_start3A_262 = tpu.memref_slice %arg9[%dma_start3A_260, %dma_start3A_261] : memref<8192x64xf32, #tpu.memory_space<vmem_shared>> -> memref<8192x64xf32, #tpu.memory_space<vmem_shared>>
      tpu.enqueue_indirect_dma source(%dma_start3A_262 : memref<8192x64xf32, #tpu.memory_space<vmem_shared>>) target(%arg11 : memref<128x64xf32, #tpu.memory_space<vmem>>) offsets(%dma_start3A_259 : memref<128xi32, #tpu.memory_space<vmem>>) semaphore(%arg13 : memref<!tpu.dma_semaphore, #tpu.memory_space<semaphore_mem>>)
      %add3A_263 = arith.constant 0 : i32
      %add3A_264 = arith.addi %add3A_263, %add3A_248 : i32
      %dma_wait3A_265 = arith.constant 0 : i32
      %dma_wait3A_266 = arith.constant 0 : i32
      %dma_wait3A_267 = tpu.memref_slice %arg10[%dma_wait3A_265, %dma_wait3A_266] : memref<32x128xi32, #tpu.memory_space<vmem>> -> memref<1x128xi32, #tpu.memory_space<vmem>>
      %dma_wait3A_268 = tpu.memref_squeeze %dma_wait3A_267 : memref<1x128xi32, #tpu.memory_space<vmem>> -> memref<128xi32, #tpu.memory_space<vmem>>
      %dma_wait3A_269 = arith.constant 0 : i32
      %dma_wait3A_270 = arith.constant 0 : i32
      %dma_wait3A_271 = tpu.memref_slice %arg9[%dma_wait3A_269, %dma_wait3A_270] : memref<8192x64xf32, #tpu.memory_space<vmem_shared>> -> memref<8192x64xf32, #tpu.memory_space<vmem_shared>>
      tpu.wait_indirect_dma semaphore(%arg14 : memref<!tpu.dma_semaphore, #tpu.memory_space<semaphore_mem>>) src(%dma_wait3A_271 : memref<8192x64xf32, #tpu.memory_space<vmem_shared>>) dst(%arg12 : memref<128x64xf32, #tpu.memory_space<vmem>>)
      %add3A_272 = arith.addi %mul3A_16, %add3A_264 : i32
      %mul3A_273 = arith.constant 128 : i32
      %mul3A_274 = arith.muli %add3A_272, %mul3A_273 : i32
      %dma_start3A_275 = tpu.memref_slice %arg5[%mul3A_274, %mul3A_14] : memref<131072x128xf32, #tpu.memory_space<hbm>> -> memref<128x64xf32, #tpu.memory_space<hbm>>
      %dma_start3A_276 = tpu.memref_slice %arg5[%mul3A_274, %mul3A_14] : memref<131072x128xf32, #tpu.memory_space<hbm>> -> memref<128x64xf32, #tpu.memory_space<hbm>>
      tpu.enqueue_dma source(%arg12 : memref<128x64xf32, #tpu.memory_space<vmem>>) target(%dma_start3A_276 : memref<128x64xf32, #tpu.memory_space<hbm>>) target_semaphore(%arg16 : memref<!tpu.dma_semaphore, #tpu.memory_space<semaphore_mem>>)
      %mul3A_277 = arith.constant 2 : i32
      %mul3A_278 = arith.muli %mul3A_277, %scan3A_242 : i32
      %add3A_279 = arith.constant 1 : i32
      %add3A_280 = arith.addi %add3A_279, %mul3A_278 : i32
      %add3A_281 = arith.constant 1 : i32
      %add3A_282 = arith.addi %add3A_280, %add3A_281 : i32
      %dma_wait3A_283 = arith.constant 0 : i32
      %dma_wait3A_284 = arith.constant 0 : i32
      %dma_wait3A_285 = tpu.memref_slice %arg5[%dma_wait3A_283, %dma_wait3A_284] : memref<131072x128xf32, #tpu.memory_space<hbm>> -> memref<128x64xf32, #tpu.memory_space<hbm>>
      %dma_wait3A_286 = arith.constant 0 : i32
      %dma_wait3A_287 = arith.constant 0 : i32
      %dma_wait3A_288 = tpu.memref_slice %arg5[%dma_wait3A_286, %dma_wait3A_287] : memref<131072x128xf32, #tpu.memory_space<hbm>> -> memref<128x64xf32, #tpu.memory_space<hbm>>
      tpu.wait_dma2 semaphore(%arg16 : memref<!tpu.dma_semaphore, #tpu.memory_space<semaphore_mem>>) src(%dma_wait3A_288 : memref<128x64xf32, #tpu.memory_space<hbm>>) dst(%arg12 : memref<128x64xf32, #tpu.memory_space<vmem>>)
      %add3A_289 = arith.constant 1 : i32
      %add3A_290 = arith.addi %add3A_282, %add3A_289 : i32
      %dma_start3A_291 = arith.constant 0 : i32
      %dma_start3A_292 = tpu.memref_slice %arg10[%add3A_290, %dma_start3A_291] : memref<32x128xi32, #tpu.memory_space<vmem>> -> memref<1x128xi32, #tpu.memory_space<vmem>>
      %dma_start3A_293 = tpu.memref_squeeze %dma_start3A_292 : memref<1x128xi32, #tpu.memory_space<vmem>> -> memref<128xi32, #tpu.memory_space<vmem>>
      %dma_start3A_294 = arith.constant 0 : i32
      %dma_start3A_295 = arith.constant 0 : i32
      %dma_start3A_296 = tpu.memref_slice %arg9[%dma_start3A_294, %dma_start3A_295] : memref<8192x64xf32, #tpu.memory_space<vmem_shared>> -> memref<8192x64xf32, #tpu.memory_space<vmem_shared>>
      tpu.enqueue_indirect_dma source(%dma_start3A_296 : memref<8192x64xf32, #tpu.memory_space<vmem_shared>>) target(%arg12 : memref<128x64xf32, #tpu.memory_space<vmem>>) offsets(%dma_start3A_293 : memref<128xi32, #tpu.memory_space<vmem>>) semaphore(%arg14 : memref<!tpu.dma_semaphore, #tpu.memory_space<semaphore_mem>>)
      %add3A_297 = arith.constant 0 : i32
      %add3A_298 = arith.addi %add3A_297, %add3A_282 : i32
      %dma_wait3A_299 = arith.constant 0 : i32
      %dma_wait3A_300 = arith.constant 0 : i32
      %dma_wait3A_301 = tpu.memref_slice %arg10[%dma_wait3A_299, %dma_wait3A_300] : memref<32x128xi32, #tpu.memory_space<vmem>> -> memref<1x128xi32, #tpu.memory_space<vmem>>
      %dma_wait3A_302 = tpu.memref_squeeze %dma_wait3A_301 : memref<1x128xi32, #tpu.memory_space<vmem>> -> memref<128xi32, #tpu.memory_space<vmem>>
      %dma_wait3A_303 = arith.constant 0 : i32
      %dma_wait3A_304 = arith.constant 0 : i32
      %dma_wait3A_305 = tpu.memref_slice %arg9[%dma_wait3A_303, %dma_wait3A_304] : memref<8192x64xf32, #tpu.memory_space<vmem_shared>> -> memref<8192x64xf32, #tpu.memory_space<vmem_shared>>
      tpu.wait_indirect_dma semaphore(%arg13 : memref<!tpu.dma_semaphore, #tpu.memory_space<semaphore_mem>>) src(%dma_wait3A_305 : memref<8192x64xf32, #tpu.memory_space<vmem_shared>>) dst(%arg11 : memref<128x64xf32, #tpu.memory_space<vmem>>)
      %add3A_306 = arith.addi %mul3A_16, %add3A_298 : i32
      %mul3A_307 = arith.constant 128 : i32
      %mul3A_308 = arith.muli %add3A_306, %mul3A_307 : i32
      %dma_start3A_309 = tpu.memref_slice %arg5[%mul3A_308, %mul3A_14] : memref<131072x128xf32, #tpu.memory_space<hbm>> -> memref<128x64xf32, #tpu.memory_space<hbm>>
      %dma_start3A_310 = tpu.memref_slice %arg5[%mul3A_308, %mul3A_14] : memref<131072x128xf32, #tpu.memory_space<hbm>> -> memref<128x64xf32, #tpu.memory_space<hbm>>
      tpu.enqueue_dma source(%arg11 : memref<128x64xf32, #tpu.memory_space<vmem>>) target(%dma_start3A_310 : memref<128x64xf32, #tpu.memory_space<hbm>>) target_semaphore(%arg15 : memref<!tpu.dma_semaphore, #tpu.memory_space<semaphore_mem>>)
    }
    %scan3A_52 = arith.constant 14 : i32
    %dma_wait3A_53 = arith.constant 0 : i32
    %dma_wait3A_54 = arith.constant 0 : i32
    %dma_wait3A_55 = tpu.memref_slice %arg5[%dma_wait3A_53, %dma_wait3A_54] : memref<131072x128xf32, #tpu.memory_space<hbm>> -> memref<128x64xf32, #tpu.memory_space<hbm>>
    %dma_wait3A_56 = arith.constant 0 : i32
    %dma_wait3A_57 = arith.constant 0 : i32
    %dma_wait3A_58 = tpu.memref_slice %arg5[%dma_wait3A_56, %dma_wait3A_57] : memref<131072x128xf32, #tpu.memory_space<hbm>> -> memref<128x64xf32, #tpu.memory_space<hbm>>
    tpu.wait_dma2 semaphore(%arg15 : memref<!tpu.dma_semaphore, #tpu.memory_space<semaphore_mem>>) src(%dma_wait3A_58 : memref<128x64xf32, #tpu.memory_space<hbm>>) dst(%arg11 : memref<128x64xf32, #tpu.memory_space<vmem>>)
    %dma_start3A_59 = arith.constant 30 : i32
    %dma_start3A_60 = arith.constant 0 : i32
    %dma_start3A_61 = tpu.memref_slice %arg10[%dma_start3A_59, %dma_start3A_60] : memref<32x128xi32, #tpu.memory_space<vmem>> -> memref<1x128xi32, #tpu.memory_space<vmem>>
    %dma_start3A_62 = tpu.memref_squeeze %dma_start3A_61 : memref<1x128xi32, #tpu.memory_space<vmem>> -> memref<128xi32, #tpu.memory_space<vmem>>
    %dma_start3A_63 = arith.constant 0 : i32
    %dma_start3A_64 = arith.constant 0 : i32
    %dma_start3A_65 = tpu.memref_slice %arg9[%dma_start3A_63, %dma_start3A_64] : memref<8192x64xf32, #tpu.memory_space<vmem_shared>> -> memref<8192x64xf32, #tpu.memory_space<vmem_shared>>
    tpu.enqueue_indirect_dma source(%dma_start3A_65 : memref<8192x64xf32, #tpu.memory_space<vmem_shared>>) target(%arg11 : memref<128x64xf32, #tpu.memory_space<vmem>>) offsets(%dma_start3A_62 : memref<128xi32, #tpu.memory_space<vmem>>) semaphore(%arg13 : memref<!tpu.dma_semaphore, #tpu.memory_space<semaphore_mem>>)
    %dma_wait3A_66 = arith.constant 0 : i32
    %dma_wait3A_67 = arith.constant 0 : i32
    %dma_wait3A_68 = tpu.memref_slice %arg10[%dma_wait3A_66, %dma_wait3A_67] : memref<32x128xi32, #tpu.memory_space<vmem>> -> memref<1x128xi32, #tpu.memory_space<vmem>>
    %dma_wait3A_69 = tpu.memref_squeeze %dma_wait3A_68 : memref<1x128xi32, #tpu.memory_space<vmem>> -> memref<128xi32, #tpu.memory_space<vmem>>
    %dma_wait3A_70 = arith.constant 0 : i32
    %dma_wait3A_71 = arith.constant 0 : i32
    %dma_wait3A_72 = tpu.memref_slice %arg9[%dma_wait3A_70, %dma_wait3A_71] : memref<8192x64xf32, #tpu.memory_space<vmem_shared>> -> memref<8192x64xf32, #tpu.memory_space<vmem_shared>>
    tpu.wait_indirect_dma semaphore(%arg14 : memref<!tpu.dma_semaphore, #tpu.memory_space<semaphore_mem>>) src(%dma_wait3A_72 : memref<8192x64xf32, #tpu.memory_space<vmem_shared>>) dst(%arg12 : memref<128x64xf32, #tpu.memory_space<vmem>>)
    %add3A_73 = arith.constant 29 : i32
    %add3A_74 = arith.addi %mul3A_16, %add3A_73 : i32
    %mul3A_75 = arith.constant 128 : i32
    %mul3A_76 = arith.muli %add3A_74, %mul3A_75 : i32
    %dma_start3A_77 = tpu.memref_slice %arg5[%mul3A_76, %mul3A_14] : memref<131072x128xf32, #tpu.memory_space<hbm>> -> memref<128x64xf32, #tpu.memory_space<hbm>>
    %dma_start3A_78 = tpu.memref_slice %arg5[%mul3A_76, %mul3A_14] : memref<131072x128xf32, #tpu.memory_space<hbm>> -> memref<128x64xf32, #tpu.memory_space<hbm>>
    tpu.enqueue_dma source(%arg12 : memref<128x64xf32, #tpu.memory_space<vmem>>) target(%dma_start3A_78 : memref<128x64xf32, #tpu.memory_space<hbm>>) target_semaphore(%arg16 : memref<!tpu.dma_semaphore, #tpu.memory_space<semaphore_mem>>)
    %dma_wait3A_79 = arith.constant 0 : i32
    %dma_wait3A_80 = arith.constant 0 : i32
    %dma_wait3A_81 = tpu.memref_slice %arg5[%dma_wait3A_79, %dma_wait3A_80] : memref<131072x128xf32, #tpu.memory_space<hbm>> -> memref<128x64xf32, #tpu.memory_space<hbm>>
    %dma_wait3A_82 = arith.constant 0 : i32
    %dma_wait3A_83 = arith.constant 0 : i32
    %dma_wait3A_84 = tpu.memref_slice %arg5[%dma_wait3A_82, %dma_wait3A_83] : memref<131072x128xf32, #tpu.memory_space<hbm>> -> memref<128x64xf32, #tpu.memory_space<hbm>>
    tpu.wait_dma2 semaphore(%arg16 : memref<!tpu.dma_semaphore, #tpu.memory_space<semaphore_mem>>) src(%dma_wait3A_84 : memref<128x64xf32, #tpu.memory_space<hbm>>) dst(%arg12 : memref<128x64xf32, #tpu.memory_space<vmem>>)
    %dma_start3A_85 = arith.constant 31 : i32
    %dma_start3A_86 = arith.constant 0 : i32
    %dma_start3A_87 = tpu.memref_slice %arg10[%dma_start3A_85, %dma_start3A_86] : memref<32x128xi32, #tpu.memory_space<vmem>> -> memref<1x128xi32, #tpu.memory_space<vmem>>
    %dma_start3A_88 = tpu.memref_squeeze %dma_start3A_87 : memref<1x128xi32, #tpu.memory_space<vmem>> -> memref<128xi32, #tpu.memory_space<vmem>>
    %dma_start3A_89 = arith.constant 0 : i32
    %dma_start3A_90 = arith.constant 0 : i32
    %dma_start3A_91 = tpu.memref_slice %arg9[%dma_start3A_89, %dma_start3A_90] : memref<8192x64xf32, #tpu.memory_space<vmem_shared>> -> memref<8192x64xf32, #tpu.memory_space<vmem_shared>>
    tpu.enqueue_indirect_dma source(%dma_start3A_91 : memref<8192x64xf32, #tpu.memory_space<vmem_shared>>) target(%arg12 : memref<128x64xf32, #tpu.memory_space<vmem>>) offsets(%dma_start3A_88 : memref<128xi32, #tpu.memory_space<vmem>>) semaphore(%arg14 : memref<!tpu.dma_semaphore, #tpu.memory_space<semaphore_mem>>)
    %dma_wait3A_92 = arith.constant 0 : i32
    %dma_wait3A_93 = arith.constant 0 : i32
    %dma_wait3A_94 = tpu.memref_slice %arg10[%dma_wait3A_92, %dma_wait3A_93] : memref<32x128xi32, #tpu.memory_space<vmem>> -> memref<1x128xi32, #tpu.memory_space<vmem>>
    %dma_wait3A_95 = tpu.memref_squeeze %dma_wait3A_94 : memref<1x128xi32, #tpu.memory_space<vmem>> -> memref<128xi32, #tpu.memory_space<vmem>>
    %dma_wait3A_96 = arith.constant 0 : i32
    %dma_wait3A_97 = arith.constant 0 : i32
    %dma_wait3A_98 = tpu.memref_slice %arg9[%dma_wait3A_96, %dma_wait3A_97] : memref<8192x64xf32, #tpu.memory_space<vmem_shared>> -> memref<8192x64xf32, #tpu.memory_space<vmem_shared>>
    tpu.wait_indirect_dma semaphore(%arg13 : memref<!tpu.dma_semaphore, #tpu.memory_space<semaphore_mem>>) src(%dma_wait3A_98 : memref<8192x64xf32, #tpu.memory_space<vmem_shared>>) dst(%arg11 : memref<128x64xf32, #tpu.memory_space<vmem>>)
    %add3A_99 = arith.constant 30 : i32
    %add3A_100 = arith.addi %mul3A_16, %add3A_99 : i32
    %mul3A_101 = arith.constant 128 : i32
    %mul3A_102 = arith.muli %add3A_100, %mul3A_101 : i32
    %dma_start3A_103 = tpu.memref_slice %arg5[%mul3A_102, %mul3A_14] : memref<131072x128xf32, #tpu.memory_space<hbm>> -> memref<128x64xf32, #tpu.memory_space<hbm>>
    %dma_start3A_104 = tpu.memref_slice %arg5[%mul3A_102, %mul3A_14] : memref<131072x128xf32, #tpu.memory_space<hbm>> -> memref<128x64xf32, #tpu.memory_space<hbm>>
    tpu.enqueue_dma source(%arg11 : memref<128x64xf32, #tpu.memory_space<vmem>>) target(%dma_start3A_104 : memref<128x64xf32, #tpu.memory_space<hbm>>) target_semaphore(%arg15 : memref<!tpu.dma_semaphore, #tpu.memory_space<semaphore_mem>>)
    %dma_wait3A_105 = arith.constant 0 : i32
    %dma_wait3A_106 = arith.constant 0 : i32
    %dma_wait3A_107 = tpu.memref_slice %arg10[%dma_wait3A_105, %dma_wait3A_106] : memref<32x128xi32, #tpu.memory_space<vmem>> -> memref<1x128xi32, #tpu.memory_space<vmem>>
    %dma_wait3A_108 = tpu.memref_squeeze %dma_wait3A_107 : memref<1x128xi32, #tpu.memory_space<vmem>> -> memref<128xi32, #tpu.memory_space<vmem>>
    %dma_wait3A_109 = arith.constant 0 : i32
    %dma_wait3A_110 = arith.constant 0 : i32
    %dma_wait3A_111 = tpu.memref_slice %arg9[%dma_wait3A_109, %dma_wait3A_110] : memref<8192x64xf32, #tpu.memory_space<vmem_shared>> -> memref<8192x64xf32, #tpu.memory_space<vmem_shared>>
    tpu.wait_indirect_dma semaphore(%arg14 : memref<!tpu.dma_semaphore, #tpu.memory_space<semaphore_mem>>) src(%dma_wait3A_111 : memref<8192x64xf32, #tpu.memory_space<vmem_shared>>) dst(%arg12 : memref<128x64xf32, #tpu.memory_space<vmem>>)
    %add3A_112 = arith.constant 31 : i32
    %add3A_113 = arith.addi %mul3A_16, %add3A_112 : i32
    %mul3A_114 = arith.constant 128 : i32
    %mul3A_115 = arith.muli %add3A_113, %mul3A_114 : i32
    %dma_start3A_116 = tpu.memref_slice %arg5[%mul3A_115, %mul3A_14] : memref<131072x128xf32, #tpu.memory_space<hbm>> -> memref<128x64xf32, #tpu.memory_space<hbm>>
    %dma_start3A_117 = tpu.memref_slice %arg5[%mul3A_115, %mul3A_14] : memref<131072x128xf32, #tpu.memory_space<hbm>> -> memref<128x64xf32, #tpu.memory_space<hbm>>
    tpu.enqueue_dma source(%arg12 : memref<128x64xf32, #tpu.memory_space<vmem>>) target(%dma_start3A_117 : memref<128x64xf32, #tpu.memory_space<hbm>>) target_semaphore(%arg16 : memref<!tpu.dma_semaphore, #tpu.memory_space<semaphore_mem>>)
    %add3A_118 = arith.constant 32 : i32
    %add3A_119 = arith.addi %mul3A_16, %add3A_118 : i32
    "tpu.region"() ({
      %run_scoped3A = tpu.sem_alloc : memref<!tpu.dma_semaphore, #tpu.memory_space<semaphore_mem>>
      %dma_start3A_242 = arith.constant 0 : i32
      %dma_start3A_243 = tpu.memref_slice %arg2[%add3A_119, %dma_start3A_242] : memref<1024x128xi32, #tpu.memory_space<hbm>> -> memref<32x128xi32, #tpu.memory_space<hbm>>
      %dma_start3A_244 = arith.constant 0 : i32
      %dma_start3A_245 = tpu.memref_slice %arg2[%add3A_119, %dma_start3A_244] : memref<1024x128xi32, #tpu.memory_space<hbm>> -> memref<32x128xi32, #tpu.memory_space<hbm>>
      tpu.enqueue_dma source(%dma_start3A_245 : memref<32x128xi32, #tpu.memory_space<hbm>>) target(%arg10 : memref<32x128xi32, #tpu.memory_space<vmem>>) target_semaphore(%run_scoped3A : memref<!tpu.dma_semaphore, #tpu.memory_space<semaphore_mem>>)
      %dma_wait3A_246 = arith.constant 0 : i32
      %dma_wait3A_247 = tpu.memref_slice %arg2[%add3A_119, %dma_wait3A_246] : memref<1024x128xi32, #tpu.memory_space<hbm>> -> memref<32x128xi32, #tpu.memory_space<hbm>>
      %dma_wait3A_248 = arith.constant 0 : i32
      %dma_wait3A_249 = tpu.memref_slice %arg2[%add3A_119, %dma_wait3A_248] : memref<1024x128xi32, #tpu.memory_space<hbm>> -> memref<32x128xi32, #tpu.memory_space<hbm>>
      tpu.wait_dma2 semaphore(%run_scoped3A : memref<!tpu.dma_semaphore, #tpu.memory_space<semaphore_mem>>) src(%dma_wait3A_249 : memref<32x128xi32, #tpu.memory_space<hbm>>) dst(%arg10 : memref<32x128xi32, #tpu.memory_space<vmem>>)
      tpu.yield
    }) : () -> ()
    %dma_wait3A_120 = arith.constant 0 : i32
    %dma_wait3A_121 = arith.constant 0 : i32
    %dma_wait3A_122 = tpu.memref_slice %arg5[%dma_wait3A_120, %dma_wait3A_121] : memref<131072x128xf32, #tpu.memory_space<hbm>> -> memref<128x64xf32, #tpu.memory_space<hbm>>
    %dma_wait3A_123 = arith.constant 0 : i32
    %dma_wait3A_124 = arith.constant 0 : i32
    %dma_wait3A_125 = tpu.memref_slice %arg5[%dma_wait3A_123, %dma_wait3A_124] : memref<131072x128xf32, #tpu.memory_space<hbm>> -> memref<128x64xf32, #tpu.memory_space<hbm>>
    tpu.wait_dma2 semaphore(%arg15 : memref<!tpu.dma_semaphore, #tpu.memory_space<semaphore_mem>>) src(%dma_wait3A_125 : memref<128x64xf32, #tpu.memory_space<hbm>>) dst(%arg11 : memref<128x64xf32, #tpu.memory_space<vmem>>)
    %dma_start3A_126 = arith.constant 0 : i32
    %dma_start3A_127 = arith.constant 0 : i32
    %dma_start3A_128 = tpu.memref_slice %arg10[%dma_start3A_126, %dma_start3A_127] : memref<32x128xi32, #tpu.memory_space<vmem>> -> memref<1x128xi32, #tpu.memory_space<vmem>>
    %dma_start3A_129 = tpu.memref_squeeze %dma_start3A_128 : memref<1x128xi32, #tpu.memory_space<vmem>> -> memref<128xi32, #tpu.memory_space<vmem>>
    %dma_start3A_130 = arith.constant 0 : i32
    %dma_start3A_131 = arith.constant 0 : i32
    %dma_start3A_132 = tpu.memref_slice %arg9[%dma_start3A_130, %dma_start3A_131] : memref<8192x64xf32, #tpu.memory_space<vmem_shared>> -> memref<8192x64xf32, #tpu.memory_space<vmem_shared>>
    tpu.enqueue_indirect_dma source(%dma_start3A_132 : memref<8192x64xf32, #tpu.memory_space<vmem_shared>>) target(%arg11 : memref<128x64xf32, #tpu.memory_space<vmem>>) offsets(%dma_start3A_129 : memref<128xi32, #tpu.memory_space<vmem>>) semaphore(%arg13 : memref<!tpu.dma_semaphore, #tpu.memory_space<semaphore_mem>>)
    %dma_wait3A_133 = arith.constant 0 : i32
    %dma_wait3A_134 = arith.constant 0 : i32
    %dma_wait3A_135 = tpu.memref_slice %arg5[%dma_wait3A_133, %dma_wait3A_134] : memref<131072x128xf32, #tpu.memory_space<hbm>> -> memref<128x64xf32, #tpu.memory_space<hbm>>
    %dma_wait3A_136 = arith.constant 0 : i32
    %dma_wait3A_137 = arith.constant 0 : i32
    %dma_wait3A_138 = tpu.memref_slice %arg5[%dma_wait3A_136, %dma_wait3A_137] : memref<131072x128xf32, #tpu.memory_space<hbm>> -> memref<128x64xf32, #tpu.memory_space<hbm>>
    tpu.wait_dma2 semaphore(%arg16 : memref<!tpu.dma_semaphore, #tpu.memory_space<semaphore_mem>>) src(%dma_wait3A_138 : memref<128x64xf32, #tpu.memory_space<hbm>>) dst(%arg12 : memref<128x64xf32, #tpu.memory_space<vmem>>)
    %dma_start3A_139 = arith.constant 1 : i32
    %dma_start3A_140 = arith.constant 0 : i32
    %dma_start3A_141 = tpu.memref_slice %arg10[%dma_start3A_139, %dma_start3A_140] : memref<32x128xi32, #tpu.memory_space<vmem>> -> memref<1x128xi32, #tpu.memory_space<vmem>>
    %dma_start3A_142 = tpu.memref_squeeze %dma_start3A_141 : memref<1x128xi32, #tpu.memory_space<vmem>> -> memref<128xi32, #tpu.memory_space<vmem>>
    %dma_start3A_143 = arith.constant 0 : i32
    %dma_start3A_144 = arith.constant 0 : i32
    %dma_start3A_145 = tpu.memref_slice %arg9[%dma_start3A_143, %dma_start3A_144] : memref<8192x64xf32, #tpu.memory_space<vmem_shared>> -> memref<8192x64xf32, #tpu.memory_space<vmem_shared>>
    tpu.enqueue_indirect_dma source(%dma_start3A_145 : memref<8192x64xf32, #tpu.memory_space<vmem_shared>>) target(%arg12 : memref<128x64xf32, #tpu.memory_space<vmem>>) offsets(%dma_start3A_142 : memref<128xi32, #tpu.memory_space<vmem>>) semaphore(%arg14 : memref<!tpu.dma_semaphore, #tpu.memory_space<semaphore_mem>>)
    %dma_wait3A_146 = arith.constant 0 : i32
    %dma_wait3A_147 = arith.constant 0 : i32
    %dma_wait3A_148 = tpu.memref_slice %arg10[%dma_wait3A_146, %dma_wait3A_147] : memref<32x128xi32, #tpu.memory_space<vmem>> -> memref<1x128xi32, #tpu.memory_space<vmem>>
    %dma_wait3A_149 = tpu.memref_squeeze %dma_wait3A_148 : memref<1x128xi32, #tpu.memory_space<vmem>> -> memref<128xi32, #tpu.memory_space<vmem>>
    %dma_wait3A_150 = arith.constant 0 : i32
    %dma_wait3A_151 = arith.constant 0 : i32
    %dma_wait3A_152 = tpu.memref_slice %arg9[%dma_wait3A_150, %dma_wait3A_151] : memref<8192x64xf32, #tpu.memory_space<vmem_shared>> -> memref<8192x64xf32, #tpu.memory_space<vmem_shared>>
    tpu.wait_indirect_dma semaphore(%arg13 : memref<!tpu.dma_semaphore, #tpu.memory_space<semaphore_mem>>) src(%dma_wait3A_152 : memref<8192x64xf32, #tpu.memory_space<vmem_shared>>) dst(%arg11 : memref<128x64xf32, #tpu.memory_space<vmem>>)
    %add3A_153 = arith.constant 32 : i32
    %add3A_154 = arith.addi %mul3A_16, %add3A_153 : i32
    %mul3A_155 = arith.constant 128 : i32
    %mul3A_156 = arith.muli %add3A_154, %mul3A_155 : i32
    %dma_start3A_157 = tpu.memref_slice %arg5[%mul3A_156, %mul3A_14] : memref<131072x128xf32, #tpu.memory_space<hbm>> -> memref<128x64xf32, #tpu.memory_space<hbm>>
    %dma_start3A_158 = tpu.memref_slice %arg5[%mul3A_156, %mul3A_14] : memref<131072x128xf32, #tpu.memory_space<hbm>> -> memref<128x64xf32, #tpu.memory_space<hbm>>
    tpu.enqueue_dma source(%arg11 : memref<128x64xf32, #tpu.memory_space<vmem>>) target(%dma_start3A_158 : memref<128x64xf32, #tpu.memory_space<hbm>>) target_semaphore(%arg15 : memref<!tpu.dma_semaphore, #tpu.memory_space<semaphore_mem>>)
    %scan3A_159 = arith.constant 0 : i32
    %scan3A_160 = arith.constant 0 : i32
    %scan3A_161 = arith.constant 14 : i32
    %scan3A_162 = arith.addi %scan3A_160, %scan3A_161 : i32
    %scan3A_163 = arith.constant 1 : i32
    scf.for %scan3A_242 = %scan3A_160 to %scan3A_162 step %scan3A_163  : i32 {
      %mul3A_243 = arith.constant 2 : i32
      %mul3A_244 = arith.muli %mul3A_243, %scan3A_242 : i32
      %add3A_245 = arith.constant 1 : i32
      %add3A_246 = arith.addi %add3A_245, %mul3A_244 : i32
      %add3A_247 = arith.constant 0 : i32
      %add3A_248 = arith.addi %add3A_246, %add3A_247 : i32
      %dma_wait3A_249 = arith.constant 0 : i32
      %dma_wait3A_250 = arith.constant 0 : i32
      %dma_wait3A_251 = tpu.memref_slice %arg5[%dma_wait3A_249, %dma_wait3A_250] : memref<131072x128xf32, #tpu.memory_space<hbm>> -> memref<128x64xf32, #tpu.memory_space<hbm>>
      %dma_wait3A_252 = arith.constant 0 : i32
      %dma_wait3A_253 = arith.constant 0 : i32
      %dma_wait3A_254 = tpu.memref_slice %arg5[%dma_wait3A_252, %dma_wait3A_253] : memref<131072x128xf32, #tpu.memory_space<hbm>> -> memref<128x64xf32, #tpu.memory_space<hbm>>
      tpu.wait_dma2 semaphore(%arg15 : memref<!tpu.dma_semaphore, #tpu.memory_space<semaphore_mem>>) src(%dma_wait3A_254 : memref<128x64xf32, #tpu.memory_space<hbm>>) dst(%arg11 : memref<128x64xf32, #tpu.memory_space<vmem>>)
      %add3A_255 = arith.constant 1 : i32
      %add3A_256 = arith.addi %add3A_248, %add3A_255 : i32
      %dma_start3A_257 = arith.constant 0 : i32
      %dma_start3A_258 = tpu.memref_slice %arg10[%add3A_256, %dma_start3A_257] : memref<32x128xi32, #tpu.memory_space<vmem>> -> memref<1x128xi32, #tpu.memory_space<vmem>>
      %dma_start3A_259 = tpu.memref_squeeze %dma_start3A_258 : memref<1x128xi32, #tpu.memory_space<vmem>> -> memref<128xi32, #tpu.memory_space<vmem>>
      %dma_start3A_260 = arith.constant 0 : i32
      %dma_start3A_261 = arith.constant 0 : i32
      %dma_start3A_262 = tpu.memref_slice %arg9[%dma_start3A_260, %dma_start3A_261] : memref<8192x64xf32, #tpu.memory_space<vmem_shared>> -> memref<8192x64xf32, #tpu.memory_space<vmem_shared>>
      tpu.enqueue_indirect_dma source(%dma_start3A_262 : memref<8192x64xf32, #tpu.memory_space<vmem_shared>>) target(%arg11 : memref<128x64xf32, #tpu.memory_space<vmem>>) offsets(%dma_start3A_259 : memref<128xi32, #tpu.memory_space<vmem>>) semaphore(%arg13 : memref<!tpu.dma_semaphore, #tpu.memory_space<semaphore_mem>>)
      %add3A_263 = arith.constant 32 : i32
      %add3A_264 = arith.addi %add3A_263, %add3A_248 : i32
      %dma_wait3A_265 = arith.constant 0 : i32
      %dma_wait3A_266 = arith.constant 0 : i32
      %dma_wait3A_267 = tpu.memref_slice %arg10[%dma_wait3A_265, %dma_wait3A_266] : memref<32x128xi32, #tpu.memory_space<vmem>> -> memref<1x128xi32, #tpu.memory_space<vmem>>
      %dma_wait3A_268 = tpu.memref_squeeze %dma_wait3A_267 : memref<1x128xi32, #tpu.memory_space<vmem>> -> memref<128xi32, #tpu.memory_space<vmem>>
      %dma_wait3A_269 = arith.constant 0 : i32
      %dma_wait3A_270 = arith.constant 0 : i32
      %dma_wait3A_271 = tpu.memref_slice %arg9[%dma_wait3A_269, %dma_wait3A_270] : memref<8192x64xf32, #tpu.memory_space<vmem_shared>> -> memref<8192x64xf32, #tpu.memory_space<vmem_shared>>
      tpu.wait_indirect_dma semaphore(%arg14 : memref<!tpu.dma_semaphore, #tpu.memory_space<semaphore_mem>>) src(%dma_wait3A_271 : memref<8192x64xf32, #tpu.memory_space<vmem_shared>>) dst(%arg12 : memref<128x64xf32, #tpu.memory_space<vmem>>)
      %add3A_272 = arith.addi %mul3A_16, %add3A_264 : i32
      %mul3A_273 = arith.constant 128 : i32
      %mul3A_274 = arith.muli %add3A_272, %mul3A_273 : i32
      %dma_start3A_275 = tpu.memref_slice %arg5[%mul3A_274, %mul3A_14] : memref<131072x128xf32, #tpu.memory_space<hbm>> -> memref<128x64xf32, #tpu.memory_space<hbm>>
      %dma_start3A_276 = tpu.memref_slice %arg5[%mul3A_274, %mul3A_14] : memref<131072x128xf32, #tpu.memory_space<hbm>> -> memref<128x64xf32, #tpu.memory_space<hbm>>
      tpu.enqueue_dma source(%arg12 : memref<128x64xf32, #tpu.memory_space<vmem>>) target(%dma_start3A_276 : memref<128x64xf32, #tpu.memory_space<hbm>>) target_semaphore(%arg16 : memref<!tpu.dma_semaphore, #tpu.memory_space<semaphore_mem>>)
      %mul3A_277 = arith.constant 2 : i32
      %mul3A_278 = arith.muli %mul3A_277, %scan3A_242 : i32
      %add3A_279 = arith.constant 1 : i32
      %add3A_280 = arith.addi %add3A_279, %mul3A_278 : i32
      %add3A_281 = arith.constant 1 : i32
      %add3A_282 = arith.addi %add3A_280, %add3A_281 : i32
      %dma_wait3A_283 = arith.constant 0 : i32
      %dma_wait3A_284 = arith.constant 0 : i32
      %dma_wait3A_285 = tpu.memref_slice %arg5[%dma_wait3A_283, %dma_wait3A_284] : memref<131072x128xf32, #tpu.memory_space<hbm>> -> memref<128x64xf32, #tpu.memory_space<hbm>>
      %dma_wait3A_286 = arith.constant 0 : i32
      %dma_wait3A_287 = arith.constant 0 : i32
      %dma_wait3A_288 = tpu.memref_slice %arg5[%dma_wait3A_286, %dma_wait3A_287] : memref<131072x128xf32, #tpu.memory_space<hbm>> -> memref<128x64xf32, #tpu.memory_space<hbm>>
      tpu.wait_dma2 semaphore(%arg16 : memref<!tpu.dma_semaphore, #tpu.memory_space<semaphore_mem>>) src(%dma_wait3A_288 : memref<128x64xf32, #tpu.memory_space<hbm>>) dst(%arg12 : memref<128x64xf32, #tpu.memory_space<vmem>>)
      %add3A_289 = arith.constant 1 : i32
      %add3A_290 = arith.addi %add3A_282, %add3A_289 : i32
      %dma_start3A_291 = arith.constant 0 : i32
      %dma_start3A_292 = tpu.memref_slice %arg10[%add3A_290, %dma_start3A_291] : memref<32x128xi32, #tpu.memory_space<vmem>> -> memref<1x128xi32, #tpu.memory_space<vmem>>
      %dma_start3A_293 = tpu.memref_squeeze %dma_start3A_292 : memref<1x128xi32, #tpu.memory_space<vmem>> -> memref<128xi32, #tpu.memory_space<vmem>>
      %dma_start3A_294 = arith.constant 0 : i32
      %dma_start3A_295 = arith.constant 0 : i32
      %dma_start3A_296 = tpu.memref_slice %arg9[%dma_start3A_294, %dma_start3A_295] : memref<8192x64xf32, #tpu.memory_space<vmem_shared>> -> memref<8192x64xf32, #tpu.memory_space<vmem_shared>>
      tpu.enqueue_indirect_dma source(%dma_start3A_296 : memref<8192x64xf32, #tpu.memory_space<vmem_shared>>) target(%arg12 : memref<128x64xf32, #tpu.memory_space<vmem>>) offsets(%dma_start3A_293 : memref<128xi32, #tpu.memory_space<vmem>>) semaphore(%arg14 : memref<!tpu.dma_semaphore, #tpu.memory_space<semaphore_mem>>)
      %add3A_297 = arith.constant 32 : i32
      %add3A_298 = arith.addi %add3A_297, %add3A_282 : i32
      %dma_wait3A_299 = arith.constant 0 : i32
      %dma_wait3A_300 = arith.constant 0 : i32
      %dma_wait3A_301 = tpu.memref_slice %arg10[%dma_wait3A_299, %dma_wait3A_300] : memref<32x128xi32, #tpu.memory_space<vmem>> -> memref<1x128xi32, #tpu.memory_space<vmem>>
      %dma_wait3A_302 = tpu.memref_squeeze %dma_wait3A_301 : memref<1x128xi32, #tpu.memory_space<vmem>> -> memref<128xi32, #tpu.memory_space<vmem>>
      %dma_wait3A_303 = arith.constant 0 : i32
      %dma_wait3A_304 = arith.constant 0 : i32
      %dma_wait3A_305 = tpu.memref_slice %arg9[%dma_wait3A_303, %dma_wait3A_304] : memref<8192x64xf32, #tpu.memory_space<vmem_shared>> -> memref<8192x64xf32, #tpu.memory_space<vmem_shared>>
      tpu.wait_indirect_dma semaphore(%arg13 : memref<!tpu.dma_semaphore, #tpu.memory_space<semaphore_mem>>) src(%dma_wait3A_305 : memref<8192x64xf32, #tpu.memory_space<vmem_shared>>) dst(%arg11 : memref<128x64xf32, #tpu.memory_space<vmem>>)
      %add3A_306 = arith.addi %mul3A_16, %add3A_298 : i32
      %mul3A_307 = arith.constant 128 : i32
      %mul3A_308 = arith.muli %add3A_306, %mul3A_307 : i32
      %dma_start3A_309 = tpu.memref_slice %arg5[%mul3A_308, %mul3A_14] : memref<131072x128xf32, #tpu.memory_space<hbm>> -> memref<128x64xf32, #tpu.memory_space<hbm>>
      %dma_start3A_310 = tpu.memref_slice %arg5[%mul3A_308, %mul3A_14] : memref<131072x128xf32, #tpu.memory_space<hbm>> -> memref<128x64xf32, #tpu.memory_space<hbm>>
      tpu.enqueue_dma source(%arg11 : memref<128x64xf32, #tpu.memory_space<vmem>>) target(%dma_start3A_310 : memref<128x64xf32, #tpu.memory_space<hbm>>) target_semaphore(%arg15 : memref<!tpu.dma_semaphore, #tpu.memory_space<semaphore_mem>>)
    }
    %scan3A_164 = arith.constant 14 : i32
    %dma_wait3A_165 = arith.constant 0 : i32
    %dma_wait3A_166 = arith.constant 0 : i32
    %dma_wait3A_167 = tpu.memref_slice %arg5[%dma_wait3A_165, %dma_wait3A_166] : memref<131072x128xf32, #tpu.memory_space<hbm>> -> memref<128x64xf32, #tpu.memory_space<hbm>>
    %dma_wait3A_168 = arith.constant 0 : i32
    %dma_wait3A_169 = arith.constant 0 : i32
    %dma_wait3A_170 = tpu.memref_slice %arg5[%dma_wait3A_168, %dma_wait3A_169] : memref<131072x128xf32, #tpu.memory_space<hbm>> -> memref<128x64xf32, #tpu.memory_space<hbm>>
    tpu.wait_dma2 semaphore(%arg15 : memref<!tpu.dma_semaphore, #tpu.memory_space<semaphore_mem>>) src(%dma_wait3A_170 : memref<128x64xf32, #tpu.memory_space<hbm>>) dst(%arg11 : memref<128x64xf32, #tpu.memory_space<vmem>>)
    %dma_start3A_171 = arith.constant 30 : i32
    %dma_start3A_172 = arith.constant 0 : i32
    %dma_start3A_173 = tpu.memref_slice %arg10[%dma_start3A_171, %dma_start3A_172] : memref<32x128xi32, #tpu.memory_space<vmem>> -> memref<1x128xi32, #tpu.memory_space<vmem>>
    %dma_start3A_174 = tpu.memref_squeeze %dma_start3A_173 : memref<1x128xi32, #tpu.memory_space<vmem>> -> memref<128xi32, #tpu.memory_space<vmem>>
    %dma_start3A_175 = arith.constant 0 : i32
    %dma_start3A_176 = arith.constant 0 : i32
    %dma_start3A_177 = tpu.memref_slice %arg9[%dma_start3A_175, %dma_start3A_176] : memref<8192x64xf32, #tpu.memory_space<vmem_shared>> -> memref<8192x64xf32, #tpu.memory_space<vmem_shared>>
    tpu.enqueue_indirect_dma source(%dma_start3A_177 : memref<8192x64xf32, #tpu.memory_space<vmem_shared>>) target(%arg11 : memref<128x64xf32, #tpu.memory_space<vmem>>) offsets(%dma_start3A_174 : memref<128xi32, #tpu.memory_space<vmem>>) semaphore(%arg13 : memref<!tpu.dma_semaphore, #tpu.memory_space<semaphore_mem>>)
    %dma_wait3A_178 = arith.constant 0 : i32
    %dma_wait3A_179 = arith.constant 0 : i32
    %dma_wait3A_180 = tpu.memref_slice %arg10[%dma_wait3A_178, %dma_wait3A_179] : memref<32x128xi32, #tpu.memory_space<vmem>> -> memref<1x128xi32, #tpu.memory_space<vmem>>
    %dma_wait3A_181 = tpu.memref_squeeze %dma_wait3A_180 : memref<1x128xi32, #tpu.memory_space<vmem>> -> memref<128xi32, #tpu.memory_space<vmem>>
    %dma_wait3A_182 = arith.constant 0 : i32
    %dma_wait3A_183 = arith.constant 0 : i32
    %dma_wait3A_184 = tpu.memref_slice %arg9[%dma_wait3A_182, %dma_wait3A_183] : memref<8192x64xf32, #tpu.memory_space<vmem_shared>> -> memref<8192x64xf32, #tpu.memory_space<vmem_shared>>
    tpu.wait_indirect_dma semaphore(%arg14 : memref<!tpu.dma_semaphore, #tpu.memory_space<semaphore_mem>>) src(%dma_wait3A_184 : memref<8192x64xf32, #tpu.memory_space<vmem_shared>>) dst(%arg12 : memref<128x64xf32, #tpu.memory_space<vmem>>)
    %add3A_185 = arith.constant 61 : i32
    %add3A_186 = arith.addi %mul3A_16, %add3A_185 : i32
    %mul3A_187 = arith.constant 128 : i32
    %mul3A_188 = arith.muli %add3A_186, %mul3A_187 : i32
    %dma_start3A_189 = tpu.memref_slice %arg5[%mul3A_188, %mul3A_14] : memref<131072x128xf32, #tpu.memory_space<hbm>> -> memref<128x64xf32, #tpu.memory_space<hbm>>
    %dma_start3A_190 = tpu.memref_slice %arg5[%mul3A_188, %mul3A_14] : memref<131072x128xf32, #tpu.memory_space<hbm>> -> memref<128x64xf32, #tpu.memory_space<hbm>>
    tpu.enqueue_dma source(%arg12 : memref<128x64xf32, #tpu.memory_space<vmem>>) target(%dma_start3A_190 : memref<128x64xf32, #tpu.memory_space<hbm>>) target_semaphore(%arg16 : memref<!tpu.dma_semaphore, #tpu.memory_space<semaphore_mem>>)
    %dma_wait3A_191 = arith.constant 0 : i32
    %dma_wait3A_192 = arith.constant 0 : i32
    %dma_wait3A_193 = tpu.memref_slice %arg5[%dma_wait3A_191, %dma_wait3A_192] : memref<131072x128xf32, #tpu.memory_space<hbm>> -> memref<128x64xf32, #tpu.memory_space<hbm>>
    %dma_wait3A_194 = arith.constant 0 : i32
    %dma_wait3A_195 = arith.constant 0 : i32
    %dma_wait3A_196 = tpu.memref_slice %arg5[%dma_wait3A_194, %dma_wait3A_195] : memref<131072x128xf32, #tpu.memory_space<hbm>> -> memref<128x64xf32, #tpu.memory_space<hbm>>
    tpu.wait_dma2 semaphore(%arg16 : memref<!tpu.dma_semaphore, #tpu.memory_space<semaphore_mem>>) src(%dma_wait3A_196 : memref<128x64xf32, #tpu.memory_space<hbm>>) dst(%arg12 : memref<128x64xf32, #tpu.memory_space<vmem>>)
    %dma_start3A_197 = arith.constant 31 : i32
    %dma_start3A_198 = arith.constant 0 : i32
    %dma_start3A_199 = tpu.memref_slice %arg10[%dma_start3A_197, %dma_start3A_198] : memref<32x128xi32, #tpu.memory_space<vmem>> -> memref<1x128xi32, #tpu.memory_space<vmem>>
    %dma_start3A_200 = tpu.memref_squeeze %dma_start3A_199 : memref<1x128xi32, #tpu.memory_space<vmem>> -> memref<128xi32, #tpu.memory_space<vmem>>
    %dma_start3A_201 = arith.constant 0 : i32
    %dma_start3A_202 = arith.constant 0 : i32
    %dma_start3A_203 = tpu.memref_slice %arg9[%dma_start3A_201, %dma_start3A_202] : memref<8192x64xf32, #tpu.memory_space<vmem_shared>> -> memref<8192x64xf32, #tpu.memory_space<vmem_shared>>
    tpu.enqueue_indirect_dma source(%dma_start3A_203 : memref<8192x64xf32, #tpu.memory_space<vmem_shared>>) target(%arg12 : memref<128x64xf32, #tpu.memory_space<vmem>>) offsets(%dma_start3A_200 : memref<128xi32, #tpu.memory_space<vmem>>) semaphore(%arg14 : memref<!tpu.dma_semaphore, #tpu.memory_space<semaphore_mem>>)
    %dma_wait3A_204 = arith.constant 0 : i32
    %dma_wait3A_205 = arith.constant 0 : i32
    %dma_wait3A_206 = tpu.memref_slice %arg10[%dma_wait3A_204, %dma_wait3A_205] : memref<32x128xi32, #tpu.memory_space<vmem>> -> memref<1x128xi32, #tpu.memory_space<vmem>>
    %dma_wait3A_207 = tpu.memref_squeeze %dma_wait3A_206 : memref<1x128xi32, #tpu.memory_space<vmem>> -> memref<128xi32, #tpu.memory_space<vmem>>
    %dma_wait3A_208 = arith.constant 0 : i32
    %dma_wait3A_209 = arith.constant 0 : i32
    %dma_wait3A_210 = tpu.memref_slice %arg9[%dma_wait3A_208, %dma_wait3A_209] : memref<8192x64xf32, #tpu.memory_space<vmem_shared>> -> memref<8192x64xf32, #tpu.memory_space<vmem_shared>>
    tpu.wait_indirect_dma semaphore(%arg13 : memref<!tpu.dma_semaphore, #tpu.memory_space<semaphore_mem>>) src(%dma_wait3A_210 : memref<8192x64xf32, #tpu.memory_space<vmem_shared>>) dst(%arg11 : memref<128x64xf32, #tpu.memory_space<vmem>>)
    %add3A_211 = arith.constant 62 : i32
    %add3A_212 = arith.addi %mul3A_16, %add3A_211 : i32
    %mul3A_213 = arith.constant 128 : i32
    %mul3A_214 = arith.muli %add3A_212, %mul3A_213 : i32
    %dma_start3A_215 = tpu.memref_slice %arg5[%mul3A_214, %mul3A_14] : memref<131072x128xf32, #tpu.memory_space<hbm>> -> memref<128x64xf32, #tpu.memory_space<hbm>>
    %dma_start3A_216 = tpu.memref_slice %arg5[%mul3A_214, %mul3A_14] : memref<131072x128xf32, #tpu.memory_space<hbm>> -> memref<128x64xf32, #tpu.memory_space<hbm>>
    tpu.enqueue_dma source(%arg11 : memref<128x64xf32, #tpu.memory_space<vmem>>) target(%dma_start3A_216 : memref<128x64xf32, #tpu.memory_space<hbm>>) target_semaphore(%arg15 : memref<!tpu.dma_semaphore, #tpu.memory_space<semaphore_mem>>)
    %dma_wait3A_217 = arith.constant 0 : i32
    %dma_wait3A_218 = arith.constant 0 : i32
    %dma_wait3A_219 = tpu.memref_slice %arg10[%dma_wait3A_217, %dma_wait3A_218] : memref<32x128xi32, #tpu.memory_space<vmem>> -> memref<1x128xi32, #tpu.memory_space<vmem>>
    %dma_wait3A_220 = tpu.memref_squeeze %dma_wait3A_219 : memref<1x128xi32, #tpu.memory_space<vmem>> -> memref<128xi32, #tpu.memory_space<vmem>>
    %dma_wait3A_221 = arith.constant 0 : i32
    %dma_wait3A_222 = arith.constant 0 : i32
    %dma_wait3A_223 = tpu.memref_slice %arg9[%dma_wait3A_221, %dma_wait3A_222] : memref<8192x64xf32, #tpu.memory_space<vmem_shared>> -> memref<8192x64xf32, #tpu.memory_space<vmem_shared>>
    tpu.wait_indirect_dma semaphore(%arg14 : memref<!tpu.dma_semaphore, #tpu.memory_space<semaphore_mem>>) src(%dma_wait3A_223 : memref<8192x64xf32, #tpu.memory_space<vmem_shared>>) dst(%arg12 : memref<128x64xf32, #tpu.memory_space<vmem>>)
    %add3A_224 = arith.constant 63 : i32
    %add3A_225 = arith.addi %mul3A_16, %add3A_224 : i32
    %mul3A_226 = arith.constant 128 : i32
    %mul3A_227 = arith.muli %add3A_225, %mul3A_226 : i32
    %dma_start3A_228 = tpu.memref_slice %arg5[%mul3A_227, %mul3A_14] : memref<131072x128xf32, #tpu.memory_space<hbm>> -> memref<128x64xf32, #tpu.memory_space<hbm>>
    %dma_start3A_229 = tpu.memref_slice %arg5[%mul3A_227, %mul3A_14] : memref<131072x128xf32, #tpu.memory_space<hbm>> -> memref<128x64xf32, #tpu.memory_space<hbm>>
    tpu.enqueue_dma source(%arg12 : memref<128x64xf32, #tpu.memory_space<vmem>>) target(%dma_start3A_229 : memref<128x64xf32, #tpu.memory_space<hbm>>) target_semaphore(%arg16 : memref<!tpu.dma_semaphore, #tpu.memory_space<semaphore_mem>>)
    %dma_wait3A_230 = arith.constant 0 : i32
    %dma_wait3A_231 = arith.constant 0 : i32
    %dma_wait3A_232 = tpu.memref_slice %arg5[%dma_wait3A_230, %dma_wait3A_231] : memref<131072x128xf32, #tpu.memory_space<hbm>> -> memref<128x64xf32, #tpu.memory_space<hbm>>
    %dma_wait3A_233 = arith.constant 0 : i32
    %dma_wait3A_234 = arith.constant 0 : i32
    %dma_wait3A_235 = tpu.memref_slice %arg5[%dma_wait3A_233, %dma_wait3A_234] : memref<131072x128xf32, #tpu.memory_space<hbm>> -> memref<128x64xf32, #tpu.memory_space<hbm>>
    tpu.wait_dma2 semaphore(%arg15 : memref<!tpu.dma_semaphore, #tpu.memory_space<semaphore_mem>>) src(%dma_wait3A_235 : memref<128x64xf32, #tpu.memory_space<hbm>>) dst(%arg11 : memref<128x64xf32, #tpu.memory_space<vmem>>)
    %dma_wait3A_236 = arith.constant 0 : i32
    %dma_wait3A_237 = arith.constant 0 : i32
    %dma_wait3A_238 = tpu.memref_slice %arg5[%dma_wait3A_236, %dma_wait3A_237] : memref<131072x128xf32, #tpu.memory_space<hbm>> -> memref<128x64xf32, #tpu.memory_space<hbm>>
    %dma_wait3A_239 = arith.constant 0 : i32
    %dma_wait3A_240 = arith.constant 0 : i32
    %dma_wait3A_241 = tpu.memref_slice %arg5[%dma_wait3A_239, %dma_wait3A_240] : memref<131072x128xf32, #tpu.memory_space<hbm>> -> memref<128x64xf32, #tpu.memory_space<hbm>>
    tpu.wait_dma2 semaphore(%arg16 : memref<!tpu.dma_semaphore, #tpu.memory_space<semaphore_mem>>) src(%dma_wait3A_241 : memref<128x64xf32, #tpu.memory_space<hbm>>) dst(%arg12 : memref<128x64xf32, #tpu.memory_space<vmem>>)
    return
  }
}

</mosaic_0001>

<sc_bundles>
// kernel: _sc_call.3.cloned.1.call-start
scs
__scs_entry_jumppad:
0x0: {  	(pc) =	sbr.rel $0x88, $3  }
0x1: {  	(tag) =	ssettag $0x0;
	lr =	simm.s32 $0x1  }
0x2: {  	[smem:$0x3F9E] =	sst lr;
	_ =	strace $0xD0000000  }
0x3: {  	_ = 	snop  }
0x4: {  	_ = 	snop  }
0x5: {  	_ = 	snop  }
0x6: {  	_ = 	snop  }
0x7: {  	_ = 	snop  }
__scs_overlays_trampoline_lowered:
0x8: {  	[smem:$0x3FAD] =	sst s0  }
0x9: {  	[smem:$0x3FAE] =	sst s1  }
0xa: {  	[smem:$0x3FAF] =	sst s2  }
0xb: {  	[smem:$0x3FB0] =	sst s3  }
0xc: {  	[smem:$0x3FB1] =	sst s4  }
0xd: {  	[smem:$0x3FB2] =	sst s5  }
0xe: {  	[smem:$0x3FB3] =	sst s6  }
0xf: {  	[smem:$0x3FB4] =	sst s7  }
0x10: {  	[smem:$0x3FB5] =	sst s8  }
0x11: {  	[smem:$0x3FB6] =	sst s9;
	s0 =	simm.s32 @!p0 $0x0  }
0x12: {  	s1 =	sld [smem:$0x3F9C];
	s0 =	simm.s32 @p0 $0x1  }
0x13: {  	[smem:$0x3FB7] =	sst s0;
	s0 =	simm.s32 @!p1 $0x0  }
0x14: {  	s2 =	sld [smem:$0x3F9B];
	s0 =	simm.s32 @p1 $0x1  }
0x15: {  	[smem:$0x3FB8] =	sst s0;
	s0 =	simm.s32 @!p2 $0x0  }
0x16: {  	s3 =	sld [smem:$0x3FDB];
	s0 =	simm.s32 @p2 $0x1  }
0x17: {  	s4 =	simm.s32 $0x1BF5;
	[smem:$0x3FBA] =	sst s0  }
0x18: {  	s0 =	sld [smem:$0x3F9D];
	_ =	swait.ge [sflag:s4], $0x0  }
0x19: {  	s7 =	sld [smem:$0x3F9E]  }
0x1a: {  	s8 =	sadd.s32 $0xFFFFE003, lr  }
0x1b: {  	s9 =	sadd.s32 $0xFFFFFEF7, lr;
	s5 =	simm.s32 $0xFFFFFFFF;
	p2 =	slt.u32 s8, $0xFFFFF086  }
0x1c: {  	p1 =	slt.u32 s9, $0xF7A;
	s5 =	simm.s32 @!p2 $0x0  }
0x1d: {  	s5 =	simm.s32 @p1 $0x1;
	p0 =	seq.s32 s7, s2  }
0x1e: {  	s7 =	smul.u32 @!p0 $0xF7A, s2;
	p2 =	seq.s32 @!p0 s5, $0x0  }
0x1f: {  	s9 =	smul.u32 $0xF7A, s1;
	s8 =	simm.s32 @!p0 $0x1BF5;
	p2 =	por !p2, p0  }
0x20: {  	[sflag:s8] =	ssyncset.s32 @!p0 $0xFFFFF086;
	s6 =	sadd.s32 @!p0 s3, s7;
	s7 =	simm.s32 @!p0 $0x108  }
0x21: {  	s3 =	sadd.s32 s3, s9;
	s6 =	sadd.s32 @!p0 $0x88, s6;
	s7 =	simm.s32 @p2 $0x1082  }
0x22: {  	[simem:s7], [sflag:s8] =	dma.local @!p0 [hbm:s6], $0xF7A  }
0x23: {  	s9 =	sor.u32 $0xD0000000, s2;
	s6 =	simm.s32 $0x108;
	_ =	swait.ge @!p0 [sflag:s8], $0x0  }
0x24: {  	s3 =	sadd.s32 $0x88, s3;
	s6 =	simm.s32 @!p1 $0x1082;
	[sflag:s4] =	ssyncset.s32 $0xFFFFF086  }
0x25: {  	[simem:s6], [sflag:s4] =	dma.local [hbm:s3], $0xF7A  }
0x26: {  	[smem:$0x3F9E] =	sst s1;
	(tag) =	ssettag s2;
	_ =	strace s9  }
0x27: {  	s1 =	sld [smem:$0x3FAE]  }
0x28: {  	s2 =	sld [smem:$0x3FAF]  }
0x29: {  	s4 =	sld [smem:$0x3FB1]  }
0x2a: {  	p0 =	seq.s32 s5, $0x0;
	s5 =	sld [smem:$0x3FB2]  }
0x2b: {  	s6 =	sld [smem:$0x3FB3]  }
0x2c: {  	s7 =	sld [smem:$0x3FB4]  }
0x2d: {  	s3 =	simm.s32 $0x108;
	s8 =	sld [smem:$0x3FB5]  }
0x2e: {  	s3 =	simm.s32 @!p0 $0x1082;
	s9 =	sld [smem:$0x3FB6]  }
0x2f: {  	lr =	sadd.s32 s0, s3;
	s0 =	sld [smem:$0x3FAD]  }
0x30: {  	s3 =	sld [smem:$0x3FB0]  }
0x31: {  	[smem:$0x3FB9] =	sst s10  }
0x32: {  	s10 =	sld [smem:$0x3FB7];
	_ =	sdelay $0x3  }
0x33: {  	p0 =	seq.s32 s10, $0x1;
	s10 =	sld [smem:$0x3FB9];
	_ =	sdelay $0x3  }
0x34: {  	[smem:$0x3FB9] =	sst s10  }
0x35: {  	s10 =	sld [smem:$0x3FB8];
	_ =	sdelay $0x3  }
0x36: {  	p1 =	seq.s32 s10, $0x1;
	s10 =	sld [smem:$0x3FB9];
	_ =	sdelay $0x3  }
0x37: {  	[smem:$0x3FB9] =	sst s10  }
0x38: {  	s10 =	sld [smem:$0x3FBA]  }
0x39: {  	_ = 	snop;
	(pc) =	sbr.ind lr, $3  }
0x3a: {  	_ = 	snop  }
0x3b: {  	_ = 	snop  }
0x3c: {  	p2 =	seq.s32 s10, $0x1;
	s10 =	sld [smem:$0x3FB9]  }
0x3d: {  	_ =	shalt  }
0x3e: {  	_ =	shalt  }
0x3f: {  	_ =	shalt  }
0x40: {  	_ =	shalt  }
0x41: {  	_ =	shalt  }
0x42: {  	_ =	shalt  }
0x43: {  	_ =	shalt  }
0x44: {  	_ =	shalt  }
0x45: {  	_ =	shalt  }
0x46: {  	_ =	shalt  }
0x47: {  	_ =	shalt  }
0x48: {  	_ =	shalt  }
0x49: {  	_ =	shalt  }
0x4a: {  	_ =	shalt  }
0x4b: {  	_ =	shalt  }
0x4c: {  	_ =	shalt  }
0x4d: {  	_ =	shalt  }
0x4e: {  	_ =	shalt  }
0x4f: {  	_ =	shalt  }
0x50: {  	_ =	shalt  }
0x51: {  	_ =	shalt  }
0x52: {  	_ =	shalt  }
0x53: {  	_ =	shalt  }
0x54: {  	_ =	shalt  }
0x55: {  	_ =	shalt  }
0x56: {  	_ =	shalt  }
0x57: {  	_ =	shalt  }
0x58: {  	_ =	shalt  }
0x59: {  	_ =	shalt  }
0x5a: {  	_ =	shalt  }
0x5b: {  	_ =	shalt  }
0x5c: {  	_ =	shalt  }
0x5d: {  	_ =	shalt  }
0x5e: {  	_ =	shalt  }
0x5f: {  	_ =	shalt  }
0x60: {  	_ =	shalt  }
0x61: {  	_ =	shalt  }
0x62: {  	_ =	shalt  }
0x63: {  	_ =	shalt  }
0x64: {  	_ =	shalt  }
0x65: {  	_ =	shalt  }
0x66: {  	_ =	shalt  }
0x67: {  	_ =	shalt  }
0x68: {  	_ =	shalt  }
0x69: {  	_ =	shalt  }
0x6a: {  	_ =	shalt  }
0x6b: {  	_ =	shalt  }
0x6c: {  	_ =	shalt  }
0x6d: {  	_ =	shalt  }
0x6e: {  	_ =	shalt  }
0x6f: {  	_ =	shalt  }
0x70: {  	_ =	shalt  }
0x71: {  	_ =	shalt  }
0x72: {  	_ =	shalt  }
0x73: {  	_ =	shalt  }
0x74: {  	_ =	shalt  }
0x75: {  	_ =	shalt  }
0x76: {  	_ =	shalt  }
0x77: {  	_ =	shalt  }
0x78: {  	_ =	shalt  }
0x79: {  	_ =	shalt  }
0x7a: {  	_ =	shalt  }
0x7b: {  	_ =	shalt  }
0x7c: {  	_ =	shalt  }
0x7d: {  	_ =	shalt  }
0x7e: {  	_ =	shalt  }
0x7f: {  	_ =	shalt  }
0x80: {  	_ =	shalt  }
0x81: {  	_ =	shalt  }
0x82: {  	_ =	shalt  }
0x83: {  	_ =	shalt  }
0x84: {  	_ =	shalt  }
0x85: {  	_ =	shalt  }
0x86: {  	_ =	shalt  }
0x87: {  	_ =	shalt  }
.Lfunc_end0:
.L_simem_size_0:
called_computation_lowered:
.L_overlay_start_0:
0x88: {  	s2 =	sld [smem:$0x3FD9]  }
0x89: {  	s3 =	sld [smem:$0x3FFE];
	_ =	sdelay $0x1  }
0x8a: {  	s1 =	srdreg.scid  }
0x8b: {  	s0 =	sand.u32 $0x1, s1  }
0x8c: {  	s17 =	sshll.u32 s0, $0xA;
	s2 =	sadd.s32 s3, s2  }
0x8d: {  	s2 =	sadd.s32 s2, s17  }
0x8e: {  	[smem:$0x3FC5] =	sst s2  }
0x8f: {  	_ = 	snop  }
0x90: {  	s2 =	sld [smem:$0x3FC9]  }
0x91: {  	s18 =	sld [smem:$0x3FD0];
	(tm) =	ssettm $0x1  }
0x92: {  	s4 =	sld [smem:$0x3FFB];
	_ =	sdelay $0x3  }
0x93: {  	_ =	strace s4  }
0x94: {  	s4 =	sld [smem:$0x3FFC];
	_ =	sdelay $0x3  }
0x95: {  	_ =	strace s4  }
0x96: {  	s4 =	sld [smem:$0x3FFD];
	_ =	sdelay $0x3  }
0x97: {  	_ =	strace s4  }
0x98: {  	_ =	strace $0x8FFFFFFF  }
0x99: {  	s19 =	sld [smem:$0x3FDB];
	_ =	sdelay $0x1  }
0x9a: {  	s5 =	simm.s32 $_scs_section_size  }
0x9b: {  	s6 =	simm.s32 $_size__tile_overlayer_lowered;
	s7 =	simm.s32 $_tile_overlayer_lowered  }
0x9c: {  	s22 =	simm.s32 $0x1BFF;
	s21 =	sshll.u32 s7, $0x1;
	s4 =	sadd.s32 s5, s19  }
0x9d: {  	s8 =	simm.s32 $0x0;
	s20 =	sshll.u32 s6, $0x1;
	s6 =	sadd.s32 s21, s4  }
0x9e: {  	[timem:s8], [sflag:s22] =	dma.local [hbm:s6], s20  }
0x9f: {  	_ =	swait.ge [sflag:s22], s20  }
0xa0: {  	s5 =	ssub.s32 $0x0, s20;
	[sflag:s22] =	ssyncset.done $0x0  }
0xa1: {  	[sflag:s22] =	ssyncadd.s32 s5;
	_ =	sdelay $0x1  }
0xa2: {  	s23 =	simm.s32 $0x1B8B  }
0xa3: {  	_ =	swait.ge [sflag:s23], $0x1  }
0xa4: {  	[sflag:s23] =	ssyncset.done $0x0  }
0xa5: {  	s25 =	simm.s32 $0x1B8E;
	s24 =	sld [smem:$0x3FFE];
	[sflag:s23] =	ssyncadd.s32 $0xFFFFFFFF  }
0xa6: {  	s26 =	simm.s32 $execute0_lowered;
	[smem:$0x3FD2] =	sst s25  }
0xa7: {  	s6 =	sshll.u32 s26, $0x1;
	_ =	strace $0x80000046;
	[dreg:$0x1] =	wrdreg $0xFFFFFFFF  }
0xa8: {  	s28 =	simm.s32 $_size_execute0_lowered;
	s4 =	sadd.s32 s4, s6;
	[dreg:$0x0] =	wrdreg $0x0  }
0xa9: {  	s6 =	sshll.u32 s28, $0x1;
	[dreg:$0x2] =	wrdreg s4  }
0xaa: {  	[dreg:$0x3] =	wrdreg s6  }
0xab: {  	[dreg:$0x4] =	wrdreg $0xC0  }
0xac: {  	_ =	task [dreg:s8], $0x5FFFF  }
0xad: {  	[dreg:$0x1] =	wrdreg $0xFFFFFFFF  }
0xae: {  	[dreg:$0x0] =	wrdreg $0x60  }
0xaf: {  	[dreg:$0x2] =	wrdreg s2  }
0xb0: {  	[dreg:$0x3] =	wrdreg s24  }
0xb1: {  	[dreg:$0x4] =	wrdreg s18  }
0xb2: {  	[dreg:$0x5] =	wrdreg $0x120400  }
0xb3: {  	[dreg:$0x6] =	wrdreg $0x9  }
0xb4: {  	_ =	task.clear_ibuf [dreg:s8], $0x7FFFF;
	_ =	strace $0x90000046  }
0xb5: {  	s29 =	simm.s32 $0x9;
	_ =	strace $0x80000048  }
0xb6: {  	_ =	swait.ge [sflag:s29], $0x1  }
0xb7: {  	[sflag:s29] =	ssyncadd.s32 $0xFFFFFFFF  }
0xb8: {  	_ =	strace $0x90000048  }
0xb9: {  	_ =	sfence  }
0xba: {  	s30 =	sld [smem:$0x0];
	_ =	sdelay $0x2  }
0xbb: {  	s31 =	sshll.u32 s1, $0xD;
	s1 =	sshrl.u32 s1, $0x2  }
0xbc: {  	s3 =	sand.u32 $0x4000, s31;
	s1 =	sadd.s32 s1, s30  }
0xbd: {  	s0 =	sor.u32 s3, s0;
	s1 =	sshll.u32 s1, $0x11  }
0xbe: {  	s0 =	sor.u32 s1, s0  }
0xbf: {  	s0 =	sadd.s32 $0x8F2B, s0  }
0xc0: {  	[sflag:s0] =	ssyncadd.remote.s32 $0x1  }
0xc1: {  	_ =	sfence.sel $0xFFFF  }
0xc2: {  	[dreg:$0x0] =	wrdreg $0xFFFFFFFF;
	(pc) =	sbr.abs _section_cstart, $3  }
0xc3: {  	[dreg:$0x1] =	wrdreg $0xFFFFFFFF  }
0xc4: {  	_ =	task.clear_ibuf [dreg:s8], $0x2FFFF;
	_ =	strace $0x9FFFFFFF  }
0xc5: {  	(tm) =	ssettm $0x7FFFFFFF  }
tec
execute0_lowered:
.L_overlay_start_1:
0x0: {  	(tag) =	ssettag $0x1  }
0x1: {  	s0 =	rddreg [dreg:$0x0]  }
0x2: {  	s2 =	rddreg [dreg:$0x1]  }
0x3: {  	s1 =	rddreg [dreg:$0x2]  }
0x4: {  	s3 =	rddreg [dreg:$0x3]  }
0x5: {  	s4 =	srdreg.scid;
	s5 =	simm.s32 $0x0;
	s11 =	stileid.u32  }
0x6: {  	s28 =	simm.s32 $0x2040;
	s29 =	simm.s32 $0x1;
	s30 =	simm.s32 $0x80  }
0x7: {  	s4 =	sand.u32 $0x1, s4;
	[smem:$0x7FF] =	sst s5;
	s8 =	sshll.u32 s11, $0x2  }
0x8: {  	s6 =	sadd.s32 $0x600, s2;
	s10 =	sshll.u32 s11, $0x14;
	s12 =	sshll.u32 s11, $0xA  }
0x9: {  	s11 =	sshll.u32 s11, $0xD;
	s7 =	sshll.u32 s4, $0x6;
	_ =	strace $0x80000047  }
0xa: {  	s4 =	ssub.s32 $0x2, s4;
	s11 =	sor.u32 $0x1000, s11;
	s5 =	sor.u32 s8, s7  }
0xb: {  	s26 =	sshrl.u32 s4, $0x1;
	s15 =	sshll.u32 s11, $0x7;
	s9 =	sshll.u32 s5, $0x1  }
0xc: {  	s11 =	sshrl.u32 s11, $0x3;
	s2 =	sadd.s32 s9, s2;
	s9 =	sadd.s32 s0, s12  }
0xd: {  	s4 =	ssub.s32 s4, s26;
	s0 =	sadd.s32 s0, s11;
	[dreg:$0x6] =	wrdreg s9  }
0xe: {  	s31 =	simm.s32 $0x1B040;
	s21 =	smax.u32 s4, $0x1;
	[dreg:$0xb] =	wrdreg s0  }
0xf: {  	s4 =	simm.s32 $0x3;
	s2 =	sadd.s32 $0x400, s2;
	[dreg:$0x10] =	wrdreg s21  }
0x10: {  	[dreg:$0x5] =	wrdreg s2;
	s2 =	sor.u32 s7, s10;
	s7 =	sor.u32 s7, s15  }
0x11: {  	s10 =	sshrl.u32 s2, $0x3;
	s17 =	sshrl.u32 s7, $0x3;
	s22 =	sor.u32 $0x4000, s2  }
0x12: {  	s23 =	sor.u32 $0x88000, s2;
	s24 =	sor.u32 $0x84000, s2;
	s21 =	sor.u32 $0x8000, s2  }
0x13: {  	s2 =	simm.s32 $0x1D040;
	s7 =	simm.s32 $0x2;
	s13 =	sadd.s32 s1, s10  }
0x14: {  	s10 =	sadd.s32 s8, s3;
	s0 =	sadd.s32 s1, s17;
	s25 =	sshrl.u32 s23, $0x3  }
0x15: {  	s26 =	sshrl.u32 s24, $0x3;
	s24 =	simm.s32 $0x5;
	[dreg:$0xc] =	wrdreg s0  }
0x16: {  	s8 =	simm.s32 $0x4;
	s14 =	sadd.s32 $0xE800, s13;
	[dreg:$0x7] =	wrdreg s13  }
0x17: {  	s12 =	sadd.s32 $0xF000, s13;
	s16 =	sadd.s32 $0xF800, s13;
	[dreg:$0x8] =	wrdreg s14  }
0x18: {  	v0 =	vlaneseq.u32;
	s18 =	sadd.s32 $0x1E800, s13;
	s19 =	sadd.s32 $0x1F000, s13;
	[dreg:$0x9] =	wrdreg s12  }
0x19: {  	v1 =	vmul.u32 $0x1000, v0;
	v2 =	vmul.u32 $0x800, v0;
	v3 =	vmul.u32 $0x400, v0;
	s20 =	sadd.s32 $0x1F800, s13;
	s0 =	sshrl.u32 s22, $0x3;
	[dreg:$0xa] =	wrdreg s16  }
0x1a: {  	v4 =	vmul.u32 $0x200, v0;
	v5 =	vmul.u32 $0x100, v0;
	v6 =	vmul.u32 $0x80, v0;
	s22 =	sadd.s32 s25, s1;
	s23 =	sadd.s32 s26, s1;
	[dreg:$0xd] =	wrdreg s18  }
0x1b: {  	v7 =	vmul.u32 $0x40, v0;
	v8 =	vmul.u32 $0x20, v0;
	v9 =	vmul.u32 $0x10, v0;
	s25 =	simm.s32 $0x1A040;
	s26 =	simm.s32 $0x40;
	[dreg:$0xe] =	wrdreg s19  }
0x1c: {  	v10 =	vmul.u32 $0x8, v0;
	v11 =	vmul.u32 $0x4, v0;
	v12 =	vmul.u32 $0x2, v0;
	s13 =	simm.s32 $0x0;
	[dreg:$0xf] =	wrdreg s20;
	s20 =	sadd.s32 s0, s1  }
.LBB2_1:
0x1d: {  	s0 =	simm.s32 $0x0;
	s9 =	rddreg [dreg:$0x5]  }
0x1e: {  	[tilespmem:s0], [sflag:$0x5] =	stream.linear.gather [hbm4b:s9+s0], $0x40, $0x38;
	[tilespmem:$0x1F040] =	vst v63  }
0x1f: {  	_ =	swait.ge [sflag:s24], $0x40  }
0x20: {  	p1 =	por $0x1, $0x1;
	s14 =	simm.s32 $0x2;
	[sflag:s24] =	ssyncset.done $0x0  }
0x21: {  	s16 =	simm.s32 $0x0;
	s19 =	rddreg [dreg:$0x6];
	[sflag:s24] =	ssyncadd.s32 $0xFFFFFFC0  }
0x22: {  	[tilespmem:s25], [sflag:$0x1] =	stream.linear.gather [hbm4b:s19+s0], $0x1000, $0x38;
	[tilespmem:$0x1F040] =	vst v63  }
.LBB2_2:
0x23: {  	p0 =	por p1, p1;
	s15 =	smov.u32 s16  }
.LBB2_3:
0x24: {  	s0 =	sadd.s32 s5, s15  }
0x25: {  	s0 =	sshll.u32 s0, $0xA  }
0x26: {  	s17 =	simm.s32 $0x0;
	s0 =	sadd.s32 s6, s0  }
0x27: {  	[tilespmem:s26], [sflag:$0x5] =	stream.linear.gather [hbm4b:s0+s17], $0x2000, $0x38;
	[tilespmem:$0x1F040] =	vst v63  }
0x28: {  	_ =	swait.ge [sflag:s24], $0x2000  }
0x29: {  	s18 =	sshll.u32 s15, $0x6;
	[sflag:s24] =	ssyncset.done $0x0  }
0x2a: {  	s0 =	sshra.s32 s18, $0x2;
	[sflag:s24] =	ssyncadd.s32 $0xFFFFE000  }
0x2b: {  	v13 =	vld [tilespmem:s0+$0x0];
	_ =	sdelay $0x4  }
0x2c: {  	v13 =	vsub.s32 $0xC, v13  }
0x2d: {  	v15 =	vbroadcast v13, $0x0  }
0x2e: {  	v16 =	vbroadcast v13, $0x1;
	(v2sf) =	vpush v13, $0xC;
	v17 =	vbroadcast v13, $0x2;
	_ =	sdelay $0x1  }
0x2f: {  	v14 =	vshrl.u32 v1, v15;
	v18 =	vshrl.u32 v2, v16;
	v20 =	vshrl.u32 v3, v17  }
0x30: {  	v14 =	vand.u32 $0x1000, v14;
	v19 =	vand.u32 $0x800, v18;
	v18 =	vbroadcast v13, $0x3  }
0x31: {  	v20 =	vand.u32 $0x400, v20;
	v14 =	vor.u32 v19, v14  }
0x32: {  	v19 =	vbroadcast v13, $0x4;
	v14 =	vor.u32 v20, v14;
	v20 =	vshrl.u32 v4, v18  }
0x33: {  	v35 =	vmov s17;
	v25 =	vbroadcast v13, $0xA;
	v21 =	vand.u32 $0x200, v20  }
0x34: {  	v22 =	vshrl.u32 v5, v19;
	v14 =	vor.u32 v21, v14;
	v21 =	vbroadcast v13, $0x6  }
0x35: {  	v26 =	vbroadcast v13, $0xB;
	v20 =	vbroadcast v13, $0x5;
	v22 =	vand.u32 $0x100, v22  }
0x36: {  	v14 =	vor.u32 v22, v14;
	v22 =	vbroadcast v13, $0x7;
	v24 =	vshrl.u32 v7, v21  }
0x37: {  	v23 =	vshrl.u32 v6, v20;
	v28 =	vand.u32 $0x40, v24;
	v24 =	vbroadcast v13, $0x9  }
0x38: {  	v29 =	vand.u32 $0x80, v23;
	v23 =	vbroadcast v13, $0x8;
	v27 =	vshrl.u32 v8, v22  }
0x39: {  	v33 =	vshrl.u32 v12, v26;
	v31 =	vand.u32 $0x20, v27;
	v27 =	vshrl.u32 v10, v24  }
0x3a: {  	v30 =	vshrl.u32 v9, v23;
	v32 =	vand.u32 $0x8, v27;
	v27 =	vshrl.u32 v11, v25  }
0x3b: {  	v33 =	vand.u32 $0x2, v33;
	v30 =	vand.u32 $0x10, v30;
	v34 =	vand.u32 $0x4, v27  }
0x3c: {  	v27 =	vbroadcast v13, $0xC;
	v13 =	vor.u32 v28, v31;
	v28 =	vshll.u32 v35, $0x4;
	s19 =	spop (v2sf)  }
0x3d: {  	v13 =	vor.u32 v30, v13;
	v28 =	vor.u32 v9, v28;
	v31 =	vshrl.u32 v0, s19  }
0x3e: {  	v13 =	vor.u32 v32, v13;
	v30 =	vshrl.u32 v28, v20;
	v62 =	vshrl.u32 v28, v19  }
0x3f: {  	v63 =	vshrl.u32 v28, v26;
	v36 =	vshrl.u32 v28, v18;
	v37 =	vshrl.u32 v28, v25  }
0x40: {  	v38 =	vshrl.u32 v28, v17;
	v39 =	vshrl.u32 v28, v23;
	v40 =	vshrl.u32 v28, v24  }
0x41: {  	v41 =	vshrl.u32 v28, v15;
	v42 =	vshrl.u32 v28, v16;
	v43 =	vshrl.u32 v28, v22  }
0x42: {  	v44 =	vshrl.u32 v28, v21;
	v28 =	vshrl.u32 v28, v27;
	v30 =	vshll.u32 v30, $0x7  }
0x43: {  	v35 =	vshll.u32 v63, $0x1;
	v32 =	vshll.u32 v62, $0x8;
	v37 =	vshll.u32 v37, $0x2  }
0x44: {  	v38 =	vshll.u32 v38, $0xA;
	v36 =	vshll.u32 v36, $0x9;
	v40 =	vshll.u32 v40, $0x3  }
0x45: {  	v41 =	vshll.u32 v41, $0xC;
	v39 =	vshll.u32 v39, $0x4;
	v42 =	vshll.u32 v42, $0xB  }
0x46: {  	v43 =	vshll.u32 v43, $0x5;
	v28 =	vand.u32 $0x1, v28;
	v44 =	vshll.u32 v44, $0x6  }
0x47: {  	v32 =	vand.u32 $0x100, v32;
	v30 =	vand.u32 $0x80, v30;
	v38 =	vand.u32 $0x400, v38  }
0x48: {  	v36 =	vand.u32 $0x200, v36;
	v41 =	vand.u32 $0x1000, v41;
	v44 =	vand.u32 $0x40, v44  }
0x49: {  	v42 =	vand.u32 $0x800, v42;
	v43 =	vand.u32 $0x20, v43;
	v28 =	vor.u32 v28, v44  }
0x4a: {  	v39 =	vand.u32 $0x10, v39;
	v41 =	vor.u32 v42, v41;
	v28 =	vor.u32 v43, v28  }
0x4b: {  	v40 =	vand.u32 $0x8, v40;
	v38 =	vor.u32 v38, v41;
	v28 =	vor.u32 v39, v28  }
0x4c: {  	v37 =	vand.u32 $0x4, v37;
	v36 =	vor.u32 v36, v38;
	v28 =	vor.u32 v40, v28  }
0x4d: {  	v35 =	vand.u32 $0x2, v35;
	v32 =	vor.u32 v32, v36;
	v28 =	vor.u32 v37, v28  }
0x4e: {  	v13 =	vor.u32 v34, v13;
	v30 =	vor.u32 v30, v32;
	v28 =	vor.u32 v35, v28  }
0x4f: {  	v31 =	vand.u32 $0x1, v31;
	v13 =	vor.u32 v33, v13;
	v28 =	vadd.s32 v30, v28  }
0x50: {  	v14 =	vor.u32 v29, v14;
	v13 =	vor.u32 v31, v13;
	v29 =	vbroadcast v28, $0x0  }
0x51: {  	v13 =	vadd.s32 v14, v13  }
0x52: {  	v29 =	vadd.s32 v13, v29  }
0x53: {  	s9 =	simm.s32 $0x0  }
0x54: {  	v14 =	vmov s9  }
0x55: {  	s11 =	sand.u32 $0x1, s15;
	v30 =	vshll.u32 v14, $0x3  }
0x56: {  	v14 =	vmov s11;
	v30 =	vor.u32 v10, v30;
	v31 =	vbroadcast v28, $0x1  }
0x57: {  	v30 =	vor.u32 v14, v30;
	v29 =	vld.idx.msk [tilespmem:v29+s26+$0x0], $0xffff  }
0x58: {  	v31 =	vadd.s32 v13, v31  }
0x59: {  	s12 =	simm.s32 $0x10  }
0x5a: {  	v43 =	vmov s12  }
0x5b: {  	v32 =	vshll.u32 v43, $0x3  }
0x5c: {  	[tilespmem:v30+s28+$0x0] =	vst.idx.msk $0xffff, v29;
	v29 =	vor.u32 v10, v32;
	v30 =	vbroadcast v28, $0x2  }
0x5d: {  	v31 =	vld.idx.msk [tilespmem:v31+s26+$0x0], $0xffff;
	v29 =	vor.u32 v14, v29  }
0x5e: {  	v30 =	vadd.s32 v13, v30  }
0x5f: {  	s17 =	simm.s32 $0x20  }
0x60: {  	v44 =	vmov s17  }
0x61: {  	v32 =	vshll.u32 v44, $0x3  }
0x62: {  	[tilespmem:v29+s28+$0x0] =	vst.idx.msk $0xffff, v31;
	v29 =	vor.u32 v10, v32;
	v31 =	vbroadcast v28, $0x3  }
0x63: {  	v30 =	vld.idx.msk [tilespmem:v30+s26+$0x0], $0xffff;
	v29 =	vor.u32 v14, v29  }
0x64: {  	v31 =	vadd.s32 v13, v31  }
0x65: {  	s18 =	simm.s32 $0x30  }
0x66: {  	v45 =	vmov s18  }
0x67: {  	v32 =	vshll.u32 v45, $0x3  }
0x68: {  	[tilespmem:v29+s28+$0x0] =	vst.idx.msk $0xffff, v30;
	v29 =	vor.u32 v10, v32;
	v30 =	vbroadcast v28, $0x4  }
0x69: {  	v31 =	vld.idx.msk [tilespmem:v31+s26+$0x0], $0xffff;
	v29 =	vor.u32 v14, v29  }
0x6a: {  	v30 =	vadd.s32 v13, v30  }
0x6b: {  	s19 =	simm.s32 $0x40  }
0x6c: {  	v46 =	vmov s19  }
0x6d: {  	v32 =	vshll.u32 v46, $0x3  }
0x6e: {  	[tilespmem:v29+s28+$0x0] =	vst.idx.msk $0xffff, v31;
	v29 =	vor.u32 v10, v32;
	v31 =	vbroadcast v28, $0x5  }
0x6f: {  	v30 =	vld.idx.msk [tilespmem:v30+s26+$0x0], $0xffff;
	v29 =	vor.u32 v14, v29  }
0x70: {  	v31 =	vadd.s32 v13, v31  }
0x71: {  	s9 =	simm.s32 $0x50  }
0x72: {  	v47 =	vmov s9  }
0x73: {  	v32 =	vshll.u32 v47, $0x3  }
0x74: {  	[tilespmem:v29+s28+$0x0] =	vst.idx.msk $0xffff, v30;
	v29 =	vor.u32 v10, v32;
	v30 =	vbroadcast v28, $0x6  }
0x75: {  	v31 =	vld.idx.msk [tilespmem:v31+s26+$0x0], $0xffff;
	v29 =	vor.u32 v14, v29  }
0x76: {  	v30 =	vadd.s32 v13, v30  }
0x77: {  	s11 =	simm.s32 $0x60  }
0x78: {  	v48 =	vmov s11  }
0x79: {  	v32 =	vshll.u32 v48, $0x3  }
0x7a: {  	[tilespmem:v29+s28+$0x0] =	vst.idx.msk $0xffff, v31;
	v29 =	vor.u32 v10, v32;
	v31 =	vbroadcast v28, $0x7  }
0x7b: {  	v30 =	vld.idx.msk [tilespmem:v30+s26+$0x0], $0xffff;
	v29 =	vor.u32 v14, v29  }
0x7c: {  	v31 =	vadd.s32 v13, v31  }
0x7d: {  	s12 =	simm.s32 $0x70  }
0x7e: {  	v49 =	vmov s12  }
0x7f: {  	v32 =	vshll.u32 v49, $0x3  }
0x80: {  	[tilespmem:v29+s28+$0x0] =	vst.idx.msk $0xffff, v30;
	v29 =	vor.u32 v10, v32;
	v30 =	vbroadcast v28, $0x8  }
0x81: {  	v31 =	vld.idx.msk [tilespmem:v31+s26+$0x0], $0xffff;
	v29 =	vor.u32 v14, v29  }
0x82: {  	v30 =	vadd.s32 v13, v30  }
0x83: {  	s17 =	simm.s32 $0x80  }
0x84: {  	v50 =	vmov s17  }
0x85: {  	v32 =	vshll.u32 v50, $0x3  }
0x86: {  	[tilespmem:v29+s28+$0x0] =	vst.idx.msk $0xffff, v31;
	v29 =	vor.u32 v10, v32;
	v31 =	vbroadcast v28, $0x9  }
0x87: {  	v30 =	vld.idx.msk [tilespmem:v30+s26+$0x0], $0xffff;
	v29 =	vor.u32 v14, v29  }
0x88: {  	v31 =	vadd.s32 v13, v31  }
0x89: {  	s18 =	simm.s32 $0x90  }
0x8a: {  	v51 =	vmov s18  }
0x8b: {  	v32 =	vshll.u32 v51, $0x3  }
0x8c: {  	[tilespmem:v29+s28+$0x0] =	vst.idx.msk $0xffff, v30;
	v29 =	vor.u32 v10, v32;
	v30 =	vbroadcast v28, $0xA  }
0x8d: {  	v31 =	vld.idx.msk [tilespmem:v31+s26+$0x0], $0xffff;
	v29 =	vor.u32 v14, v29  }
0x8e: {  	v30 =	vadd.s32 v13, v30  }
0x8f: {  	s19 =	simm.s32 $0xA0  }
0x90: {  	v52 =	vmov s19  }
0x91: {  	v32 =	vshll.u32 v52, $0x3  }
0x92: {  	[tilespmem:v29+s28+$0x0] =	vst.idx.msk $0xffff, v31;
	v29 =	vor.u32 v10, v32;
	v31 =	vbroadcast v28, $0xB  }
0x93: {  	v30 =	vld.idx.msk [tilespmem:v30+s26+$0x0], $0xffff;
	v29 =	vor.u32 v14, v29  }
0x94: {  	v31 =	vadd.s32 v13, v31  }
0x95: {  	s9 =	simm.s32 $0xB0  }
0x96: {  	s18 =	simm.s32 $0x10;
	v53 =	vmov s9  }
0x97: {  	v54 =	vmov s18;
	s12 =	simm.s32 $0xC0;
	v32 =	vshll.u32 v53, $0x3  }
0x98: {  	s19 =	simm.s32 $0xD0;
	v56 =	vmov s12;
	[tilespmem:v29+s28+$0x0] =	vst.idx.msk $0xffff, v30;
	v29 =	vor.u32 v10, v32;
	v30 =	vbroadcast v28, $0xC  }
0x99: {  	v57 =	vmov s19;
	v34 =	vshll.u32 v56, $0x3;
	s11 =	simm.s32 $0xE0;
	v31 =	vld.idx.msk [tilespmem:v31+s26+$0x0], $0xffff;
	v29 =	vor.u32 v14, v29  }
0x9a: {  	v35 =	vshll.u32 v57, $0x3;
	v55 =	vmov s11;
	v30 =	vadd.s32 v13, v30  }
0x9b: {  	v59 =	vbroadcast v28, $0xD;
	v33 =	vshll.u32 v55, $0x3;
	v32 =	vshll.u32 v54, $0x4  }
0x9c: {  	v35 =	vor.u32 v10, v35;
	v58 =	vor.u32 v10, v33;
	v32 =	vor.u32 v9, v32  }
0x9d: {  	v47 =	vadd.s32 v13, v59;
	v60 =	vshrl.u32 v32, v19;
	v61 =	vshrl.u32 v32, v26  }
0x9e: {  	v46 =	vshrl.u32 v32, v18;
	[tilespmem:v29+s28+$0x0] =	vst.idx.msk $0xffff, v31;
	v29 =	vor.u32 v10, v34  }
0x9f: {  	v45 =	vshrl.u32 v32, v25;
	v48 =	vshrl.u32 v32, v17;
	v62 =	vor.u32 v14, v29;
	v63 =	vld.idx.msk [tilespmem:v30+s26+$0x0], $0xffff  }
0xa0: {  	v49 =	vshrl.u32 v32, v24;
	v40 =	vshrl.u32 v32, v15;
	v36 =	vshrl.u32 v32, v16  }
0xa1: {  	v37 =	vshrl.u32 v32, v22;
	v33 =	vshrl.u32 v32, v21;
	v38 =	vshrl.u32 v32, v27  }
0xa2: {  	v41 =	vshll.u32 v60, $0x8;
	v42 =	vshll.u32 v48, $0xA;
	v43 =	vshll.u32 v46, $0x9  }
0xa3: {  	v44 =	vshll.u32 v49, $0x3;
	v31 =	vshrl.u32 v32, v20;
	v34 =	vshrl.u32 v32, v23  }
0xa4: {  	v39 =	vshll.u32 v31, $0x7;
	v31 =	vshll.u32 v45, $0x2;
	v45 =	vbroadcast v28, $0xE;
	[tilespmem:v62+s28+$0x0] =	vst.idx.msk $0xffff, v63  }
0xa5: {  	s0 =	simm.s32 $0x2F0;
	s19 =	simm.s32 $0xF0;
	s17 =	simm.s32 $0x1F0;
	v32 =	vor.u32 v14, v35;
	v29 =	vor.u32 v14, v58;
	v30 =	vshll.u32 v61, $0x1;
	v35 =	vld.idx.msk [tilespmem:v47+s26+$0x0], $0xffff  }
.LBB2_4:
0xa6: {  	p1 =	sne.s32 s0, $0x1FF0;
	v40 =	vshll.u32 v40, $0xC;
	v34 =	vshll.u32 v34, $0x4;
	v45 =	vadd.s32 v13, v45  }
0xa7: {  	v36 =	vshll.u32 v36, $0xB;
	v37 =	vshll.u32 v37, $0x5;
	v38 =	vand.u32 $0x1, v38  }
0xa8: {  	v41 =	vand.u32 $0x100, v41;
	v39 =	vand.u32 $0x80, v39;
	v33 =	vshll.u32 v33, $0x6  }
0xa9: {  	v42 =	vand.u32 $0x400, v42;
	v43 =	vand.u32 $0x200, v43;
	v44 =	vand.u32 $0x8, v44  }
0xaa: {  	v40 =	vand.u32 $0x1000, v40;
	v36 =	vand.u32 $0x800, v36;
	v33 =	vand.u32 $0x40, v33;
	[tilespmem:v32+s28+$0x0] =	vst.idx.msk $0xffff, v35  }
0xab: {  	v28 =	vbroadcast v28, $0xF;
	v33 =	vor.u32 v38, v33;
	v32 =	vand.u32 $0x20, v37;
	v35 =	vld.idx.msk [tilespmem:v45+s26+$0x0], $0xffff  }
0xac: {  	v34 =	vand.u32 $0x10, v34;
	v36 =	vor.u32 v36, v40;
	v32 =	vor.u32 v32, v33  }
0xad: {  	v33 =	vor.u32 v42, v36;
	v32 =	vor.u32 v34, v32;
	v34 =	vadd.s32 v13, v28  }
0xae: {  	v31 =	vand.u32 $0x4, v31;
	v28 =	vor.u32 v43, v33;
	v32 =	vor.u32 v44, v32  }
0xaf: {  	v30 =	vand.u32 $0x2, v30;
	v28 =	vor.u32 v41, v28;
	v31 =	vor.u32 v31, v32  }
0xb0: {  	v28 =	vor.u32 v39, v28;
	v30 =	vor.u32 v30, v31;
	v31 =	vmov s19;
	s19 =	smov.u32 s17;
	s17 =	smov.u32 s0  }
0xb1: {  	v28 =	vadd.s32 v28, v30;
	[tilespmem:v29+s28+$0x0] =	vst.idx.msk $0xffff, v35;
	v29 =	vshll.u32 v31, $0x3  }
0xb2: {  	v30 =	vbroadcast v28, $0x0;
	v31 =	vld.idx.msk [tilespmem:v34+s26+$0x0], $0xffff;
	v29 =	vor.u32 v10, v29  }
0xb3: {  	v29 =	vor.u32 v14, v29  }
0xb4: {  	v30 =	vadd.s32 v13, v30;
	_ =	sdelay $0x1  }
0xb5: {  	s11 =	sadd.s32 $0xFFFFFF10, s19  }
0xb6: {  	v32 =	vmov s11  }
0xb7: {  	v32 =	vshll.u32 v32, $0x3;
	[tilespmem:v29+s28+$0x0] =	vst.idx.msk $0xffff, v31  }
0xb8: {  	v31 =	vbroadcast v28, $0x1;
	v29 =	vld.idx.msk [tilespmem:v30+s26+$0x0], $0xffff;
	v30 =	vor.u32 v10, v32  }
0xb9: {  	v30 =	vor.u32 v14, v30  }
0xba: {  	v31 =	vadd.s32 v13, v31;
	_ =	sdelay $0x1  }
0xbb: {  	s11 =	sadd.s32 $0xFFFFFF20, s19  }
0xbc: {  	v32 =	vmov s11  }
0xbd: {  	[tilespmem:v30+s28+$0x0] =	vst.idx.msk $0xffff, v29;
	v29 =	vshll.u32 v32, $0x3  }
0xbe: {  	v30 =	vld.idx.msk [tilespmem:v31+s26+$0x0], $0xffff;
	v29 =	vor.u32 v10, v29;
	v31 =	vbroadcast v28, $0x2  }
0xbf: {  	v29 =	vor.u32 v14, v29  }
0xc0: {  	v31 =	vadd.s32 v13, v31;
	_ =	sdelay $0x1  }
0xc1: {  	s11 =	sadd.s32 $0xFFFFFF30, s19  }
0xc2: {  	v32 =	vmov s11  }
0xc3: {  	[tilespmem:v29+s28+$0x0] =	vst.idx.msk $0xffff, v30;
	v29 =	vshll.u32 v32, $0x3  }
0xc4: {  	v30 =	vld.idx.msk [tilespmem:v31+s26+$0x0], $0xffff;
	v29 =	vor.u32 v10, v29;
	v31 =	vbroadcast v28, $0x3  }
0xc5: {  	v29 =	vor.u32 v14, v29  }
0xc6: {  	v31 =	vadd.s32 v13, v31;
	_ =	sdelay $0x1  }
0xc7: {  	s11 =	sadd.s32 $0xFFFFFF40, s19  }
0xc8: {  	v32 =	vmov s11  }
0xc9: {  	[tilespmem:v29+s28+$0x0] =	vst.idx.msk $0xffff, v30;
	v29 =	vshll.u32 v32, $0x3  }
0xca: {  	v30 =	vld.idx.msk [tilespmem:v31+s26+$0x0], $0xffff;
	v29 =	vor.u32 v10, v29;
	v31 =	vbroadcast v28, $0x4  }
0xcb: {  	v29 =	vor.u32 v14, v29  }
0xcc: {  	v31 =	vadd.s32 v13, v31;
	_ =	sdelay $0x1  }
0xcd: {  	s11 =	sadd.s32 $0xFFFFFF50, s19  }
0xce: {  	v32 =	vmov s11  }
0xcf: {  	[tilespmem:v29+s28+$0x0] =	vst.idx.msk $0xffff, v30;
	v29 =	vshll.u32 v32, $0x3  }
0xd0: {  	v30 =	vld.idx.msk [tilespmem:v31+s26+$0x0], $0xffff;
	v29 =	vor.u32 v10, v29;
	v31 =	vbroadcast v28, $0x5  }
0xd1: {  	v29 =	vor.u32 v14, v29  }
0xd2: {  	v31 =	vadd.s32 v13, v31;
	_ =	sdelay $0x1  }
0xd3: {  	s11 =	sadd.s32 $0xFFFFFF60, s19  }
0xd4: {  	v32 =	vmov s11  }
0xd5: {  	[tilespmem:v29+s28+$0x0] =	vst.idx.msk $0xffff, v30;
	v29 =	vshll.u32 v32, $0x3  }
0xd6: {  	v30 =	vld.idx.msk [tilespmem:v31+s26+$0x0], $0xffff;
	v29 =	vor.u32 v10, v29;
	v31 =	vbroadcast v28, $0x6  }
0xd7: {  	v29 =	vor.u32 v14, v29  }
0xd8: {  	v31 =	vadd.s32 v13, v31;
	_ =	sdelay $0x1  }
0xd9: {  	s11 =	sadd.s32 $0xFFFFFF70, s19  }
0xda: {  	v32 =	vmov s11  }
0xdb: {  	[tilespmem:v29+s28+$0x0] =	vst.idx.msk $0xffff, v30;
	v29 =	vshll.u32 v32, $0x3  }
0xdc: {  	v30 =	vld.idx.msk [tilespmem:v31+s26+$0x0], $0xffff;
	v29 =	vor.u32 v10, v29;
	v31 =	vbroadcast v28, $0x7  }
0xdd: {  	v29 =	vor.u32 v14, v29  }
0xde: {  	v31 =	vadd.s32 v13, v31;
	_ =	sdelay $0x1  }
0xdf: {  	s11 =	sadd.s32 $0xFFFFFF80, s19  }
0xe0: {  	v32 =	vmov s11  }
0xe1: {  	[tilespmem:v29+s28+$0x0] =	vst.idx.msk $0xffff, v30;
	v29 =	vshll.u32 v32, $0x3  }
0xe2: {  	v30 =	vld.idx.msk [tilespmem:v31+s26+$0x0], $0xffff;
	v29 =	vor.u32 v10, v29;
	v31 =	vbroadcast v28, $0x8  }
0xe3: {  	v29 =	vor.u32 v14, v29  }
0xe4: {  	v31 =	vadd.s32 v13, v31;
	_ =	sdelay $0x1  }
0xe5: {  	s11 =	sadd.s32 $0xFFFFFF90, s19  }
0xe6: {  	v32 =	vmov s11  }
0xe7: {  	[tilespmem:v29+s28+$0x0] =	vst.idx.msk $0xffff, v30;
	v29 =	vshll.u32 v32, $0x3  }
0xe8: {  	v30 =	vld.idx.msk [tilespmem:v31+s26+$0x0], $0xffff;
	v29 =	vor.u32 v10, v29;
	v31 =	vbroadcast v28, $0x9  }
0xe9: {  	v29 =	vor.u32 v14, v29  }
0xea: {  	v31 =	vadd.s32 v13, v31;
	_ =	sdelay $0x1  }
0xeb: {  	s11 =	sadd.s32 $0xFFFFFFA0, s19  }
0xec: {  	v32 =	vmov s11  }
0xed: {  	[tilespmem:v29+s28+$0x0] =	vst.idx.msk $0xffff, v30;
	v29 =	vshll.u32 v32, $0x3  }
0xee: {  	v30 =	vld.idx.msk [tilespmem:v31+s26+$0x0], $0xffff;
	v29 =	vor.u32 v10, v29;
	v31 =	vbroadcast v28, $0xA  }
0xef: {  	v29 =	vor.u32 v14, v29  }
0xf0: {  	v31 =	vadd.s32 v13, v31;
	_ =	sdelay $0x1  }
0xf1: {  	s11 =	sadd.s32 $0xFFFFFFB0, s19  }
0xf2: {  	v32 =	vmov s11  }
0xf3: {  	[tilespmem:v29+s28+$0x0] =	vst.idx.msk $0xffff, v30;
	v29 =	vshll.u32 v32, $0x3  }
0xf4: {  	v30 =	vld.idx.msk [tilespmem:v31+s26+$0x0], $0xffff;
	v29 =	vor.u32 v10, v29;
	v31 =	vbroadcast v28, $0xB  }
0xf5: {  	v29 =	vor.u32 v14, v29  }
0xf6: {  	v31 =	vadd.s32 v13, v31;
	_ =	sdelay $0x1  }
0xf7: {  	s11 =	sadd.s32 $0xFFFFFFC0, s19  }
0xf8: {  	v32 =	vmov s11  }
0xf9: {  	[tilespmem:v29+s28+$0x0] =	vst.idx.msk $0xffff, v30;
	v29 =	vshll.u32 v32, $0x3  }
0xfa: {  	v30 =	vld.idx.msk [tilespmem:v31+s26+$0x0], $0xffff;
	v29 =	vor.u32 v10, v29;
	v31 =	vbroadcast v28, $0xC  }
0xfb: {  	v29 =	vor.u32 v14, v29  }
0xfc: {  	s18 =	sadd.s32 $0x10, s18;
	s11 =	sadd.s32 $0xFFFFFFF0, s19;
	v31 =	vadd.s32 v13, v31  }
0xfd: {  	s12 =	sadd.s32 $0xFFFFFFD0, s19;
	s9 =	sadd.s32 $0xFFFFFFE0, s19;
	v33 =	vmov s11;
	v32 =	vmov s18  }
0xfe: {  	v35 =	vmov s9;
	v34 =	vmov s12;
	v32 =	vshll.u32 v32, $0x4  }
0xff: {  	v35 =	vshll.u32 v35, $0x3;
	v33 =	vshll.u32 v33, $0x3;
	v32 =	vor.u32 v9, v32  }
0x100: {  	v35 =	vor.u32 v10, v35;
	[tilespmem:v29+s28+$0x0] =	vst.idx.msk $0xffff, v30;
	v29 =	vshll.u32 v34, $0x3;
	v30 =	vor.u32 v10, v33  }
0x101: {  	v39 =	vshrl.u32 v32, v20;
	v33 =	vbroadcast v28, $0xD;
	v31 =	vld.idx.msk [tilespmem:v31+s26+$0x0], $0xffff;
	v29 =	vor.u32 v10, v29  }
0x102: {  	v41 =	vshrl.u32 v32, v19;
	v42 =	vshrl.u32 v32, v26;
	v43 =	vor.u32 v14, v29  }
0x103: {  	v44 =	vshrl.u32 v32, v18;
	v45 =	vshrl.u32 v32, v25;
	v46 =	vadd.s32 v13, v33  }
0x104: {  	v47 =	vshrl.u32 v32, v17;
	v48 =	vshrl.u32 v32, v24;
	v34 =	vshrl.u32 v32, v23  }
.Ltmp0:
0x105: {  	v40 =	vshrl.u32 v32, v15;
	v36 =	vshrl.u32 v32, v16;
	v37 =	vshrl.u32 v32, v22;
	(pc) =	sbr.rel @p1 .LBB2_4-.Ltmp0, $4  }
0x106: {  	v38 =	vshrl.u32 v32, v27;
	v33 =	vshrl.u32 v32, v21;
	v29 =	vor.u32 v14, v30  }
0x107: {  	v39 =	vshll.u32 v39, $0x7;
	v30 =	vshll.u32 v42, $0x1;
	v32 =	vor.u32 v14, v35;
	[tilespmem:v43+s28+$0x0] =	vst.idx.msk $0xffff, v31  }
0x108: {  	v41 =	vshll.u32 v41, $0x8;
	v31 =	vshll.u32 v45, $0x2;
	v45 =	vbroadcast v28, $0xE;
	v35 =	vld.idx.msk [tilespmem:v46+s26+$0x0], $0xffff  }
0x109: {  	s0 =	sadd.s32 $0x100, s0;
	v42 =	vshll.u32 v47, $0xA;
	v43 =	vshll.u32 v44, $0x9;
	v44 =	vshll.u32 v48, $0x3  }
0x10a: {  	v15 =	vshll.u32 v40, $0xC;
	v16 =	vshll.u32 v34, $0x4;
	v17 =	vadd.s32 v13, v45  }
0x10b: {  	v18 =	vshll.u32 v36, $0xB;
	v19 =	vshll.u32 v37, $0x5;
	v20 =	vand.u32 $0x1, v38  }
0x10c: {  	v21 =	vand.u32 $0x100, v41;
	v22 =	vand.u32 $0x80, v39;
	v23 =	vshll.u32 v33, $0x6  }
0x10d: {  	v24 =	vand.u32 $0x400, v42;
	v25 =	vand.u32 $0x200, v43;
	v26 =	vand.u32 $0x8, v44  }
0x10e: {  	v55 =	vbroadcast v28, $0xF;
	v15 =	vand.u32 $0x1000, v15;
	v23 =	vand.u32 $0x40, v23  }
0x10f: {  	v18 =	vand.u32 $0x800, v18;
	v19 =	vand.u32 $0x20, v19;
	v20 =	vor.u32 v20, v23  }
0x110: {  	v16 =	vand.u32 $0x10, v16;
	v15 =	vor.u32 v18, v15;
	[tilespmem:v32+s28+$0x0] =	vst.idx.msk $0xffff, v35;
	v56 =	vor.u32 v19, v20  }
0x111: {  	v58 =	vand.u32 $0x4, v31;
	v15 =	vor.u32 v24, v15;
	v16 =	vor.u32 v16, v56;
	v17 =	vld.idx.msk [tilespmem:v17+s26+$0x0], $0xffff  }
0x112: {  	v57 =	vadd.s32 v13, v55;
	v15 =	vor.u32 v25, v15;
	v16 =	vor.u32 v26, v16  }
0x113: {  	v59 =	vand.u32 $0x2, v30;
	v15 =	vor.u32 v21, v15;
	v16 =	vor.u32 v58, v16  }
0x114: {  	v60 =	vmov s19;
	v15 =	vor.u32 v22, v15;
	v16 =	vor.u32 v59, v16  }
0x115: {  	v61 =	vshll.u32 v60, $0x3;
	v15 =	vadd.s32 v15, v16  }
0x116: {  	v16 =	vor.u32 v10, v61;
	v62 =	vbroadcast v15, $0x0;
	[tilespmem:v29+s28+$0x0] =	vst.idx.msk $0xffff, v17  }
0x117: {  	v16 =	vor.u32 v14, v16;
	v18 =	vld.idx.msk [tilespmem:v57+s26+$0x0], $0xffff  }
0x118: {  	v17 =	vadd.s32 v13, v62  }
0x119: {  	s0 =	sadd.s32 $0xFFFFFF10, s17  }
0x11a: {  	v63 =	vmov s0  }
0x11b: {  	v19 =	vshll.u32 v63, $0x3  }
0x11c: {  	v21 =	vor.u32 v10, v19;
	v22 =	vbroadcast v15, $0x1;
	[tilespmem:v16+s28+$0x0] =	vst.idx.msk $0xffff, v18  }
0x11d: {  	v16 =	vor.u32 v14, v21;
	v17 =	vld.idx.msk [tilespmem:v17+s26+$0x0], $0xffff  }
0x11e: {  	v18 =	vadd.s32 v13, v22  }
0x11f: {  	s11 =	sadd.s32 $0xFFFFFF20, s17  }
0x120: {  	v23 =	vmov s11  }
0x121: {  	v19 =	vshll.u32 v23, $0x3  }
0x122: {  	v24 =	vor.u32 v10, v19;
	v25 =	vbroadcast v15, $0x2;
	[tilespmem:v16+s28+$0x0] =	vst.idx.msk $0xffff, v17  }
0x123: {  	v16 =	vor.u32 v14, v24;
	v18 =	vld.idx.msk [tilespmem:v18+s26+$0x0], $0xffff  }
0x124: {  	v17 =	vadd.s32 v13, v25  }
0x125: {  	s12 =	sadd.s32 $0xFFFFFF30, s17  }
0x126: {  	v26 =	vmov s12  }
0x127: {  	v19 =	vshll.u32 v26, $0x3  }
0x128: {  	v27 =	vor.u32 v10, v19;
	v28 =	vbroadcast v15, $0x3;
	[tilespmem:v16+s28+$0x0] =	vst.idx.msk $0xffff, v18  }
0x129: {  	v16 =	vor.u32 v14, v27;
	v17 =	vld.idx.msk [tilespmem:v17+s26+$0x0], $0xffff  }
0x12a: {  	v18 =	vadd.s32 v13, v28  }
0x12b: {  	s18 =	sadd.s32 $0xFFFFFF40, s17  }
0x12c: {  	v29 =	vmov s18  }
0x12d: {  	v19 =	vshll.u32 v29, $0x3  }
0x12e: {  	v31 =	vbroadcast v15, $0x4;
	v30 =	vor.u32 v10, v19;
	[tilespmem:v16+s28+$0x0] =	vst.idx.msk $0xffff, v17  }
0x12f: {  	v16 =	vor.u32 v14, v30;
	v18 =	vld.idx.msk [tilespmem:v18+s26+$0x0], $0xffff  }
0x130: {  	v17 =	vadd.s32 v13, v31  }
0x131: {  	s19 =	sadd.s32 $0xFFFFFF50, s17  }
0x132: {  	v32 =	vmov s19  }
0x133: {  	v19 =	vshll.u32 v32, $0x3  }
0x134: {  	v34 =	vbroadcast v15, $0x5;
	v33 =	vor.u32 v10, v19;
	[tilespmem:v16+s28+$0x0] =	vst.idx.msk $0xffff, v18  }
0x135: {  	v16 =	vor.u32 v14, v33;
	v17 =	vld.idx.msk [tilespmem:v17+s26+$0x0], $0xffff  }
0x136: {  	v18 =	vadd.s32 v13, v34  }
0x137: {  	s9 =	sadd.s32 $0xFFFFFF60, s17  }
0x138: {  	v35 =	vmov s9  }
0x139: {  	v19 =	vshll.u32 v35, $0x3  }
0x13a: {  	v37 =	vbroadcast v15, $0x6;
	v36 =	vor.u32 v10, v19;
	[tilespmem:v16+s28+$0x0] =	vst.idx.msk $0xffff, v17  }
0x13b: {  	v16 =	vor.u32 v14, v36;
	v18 =	vld.idx.msk [tilespmem:v18+s26+$0x0], $0xffff  }
0x13c: {  	v17 =	vadd.s32 v13, v37  }
0x13d: {  	s11 =	sadd.s32 $0xFFFFFF70, s17  }
0x13e: {  	v38 =	vmov s11  }
0x13f: {  	v19 =	vshll.u32 v38, $0x3  }
0x140: {  	v40 =	vbroadcast v15, $0x7;
	v39 =	vor.u32 v10, v19;
	[tilespmem:v16+s28+$0x0] =	vst.idx.msk $0xffff, v18  }
0x141: {  	v16 =	vor.u32 v14, v39;
	v17 =	vld.idx.msk [tilespmem:v17+s26+$0x0], $0xffff  }
0x142: {  	v18 =	vadd.s32 v13, v40  }
0x143: {  	s12 =	sadd.s32 $0xFFFFFF80, s17  }
0x144: {  	v41 =	vmov s12  }
0x145: {  	v19 =	vshll.u32 v41, $0x3  }
0x146: {  	v43 =	vbroadcast v15, $0x8;
	v42 =	vor.u32 v10, v19;
	[tilespmem:v16+s28+$0x0] =	vst.idx.msk $0xffff, v17  }
0x147: {  	v16 =	vor.u32 v14, v42;
	v18 =	vld.idx.msk [tilespmem:v18+s26+$0x0], $0xffff  }
0x148: {  	v17 =	vadd.s32 v13, v43  }
0x149: {  	s18 =	sadd.s32 $0xFFFFFF90, s17  }
0x14a: {  	v44 =	vmov s18  }
0x14b: {  	v19 =	vshll.u32 v44, $0x3  }
0x14c: {  	v46 =	vbroadcast v15, $0x9;
	v45 =	vor.u32 v10, v19;
	[tilespmem:v16+s28+$0x0] =	vst.idx.msk $0xffff, v18  }
0x14d: {  	v16 =	vor.u32 v14, v45;
	v17 =	vld.idx.msk [tilespmem:v17+s26+$0x0], $0xffff  }
0x14e: {  	v18 =	vadd.s32 v13, v46  }
0x14f: {  	s19 =	sadd.s32 $0xFFFFFFA0, s17  }
0x150: {  	v47 =	vmov s19  }
0x151: {  	v19 =	vshll.u32 v47, $0x3  }
0x152: {  	v49 =	vbroadcast v15, $0xA;
	v48 =	vor.u32 v10, v19;
	[tilespmem:v16+s28+$0x0] =	vst.idx.msk $0xffff, v17  }
0x153: {  	v16 =	vor.u32 v14, v48;
	v18 =	vld.idx.msk [tilespmem:v18+s26+$0x0], $0xffff  }
0x154: {  	v17 =	vadd.s32 v13, v49  }
0x155: {  	s9 =	sadd.s32 $0xFFFFFFB0, s17  }
0x156: {  	v50 =	vmov s9  }
0x157: {  	v19 =	vshll.u32 v50, $0x3  }
0x158: {  	v52 =	vbroadcast v15, $0xB;
	v51 =	vor.u32 v10, v19;
	[tilespmem:v16+s28+$0x0] =	vst.idx.msk $0xffff, v18  }
0x159: {  	v16 =	vor.u32 v14, v51;
	v17 =	vld.idx.msk [tilespmem:v17+s26+$0x0], $0xffff  }
0x15a: {  	v18 =	vadd.s32 v13, v52  }
0x15b: {  	s11 =	sadd.s32 $0xFFFFFFC0, s17  }
0x15c: {  	v53 =	vmov s11  }
0x15d: {  	v19 =	vshll.u32 v53, $0x3  }
0x15e: {  	v55 =	vbroadcast v15, $0xC;
	v54 =	vor.u32 v10, v19;
	[tilespmem:v16+s28+$0x0] =	vst.idx.msk $0xffff, v17  }
0x15f: {  	v16 =	vor.u32 v14, v54;
	v18 =	vld.idx.msk [tilespmem:v18+s26+$0x0], $0xffff  }
0x160: {  	v17 =	vadd.s32 v13, v55  }
0x161: {  	s12 =	sadd.s32 $0xFFFFFFD0, s17  }
0x162: {  	v56 =	vmov s12  }
0x163: {  	v19 =	vshll.u32 v56, $0x3  }
0x164: {  	v58 =	vbroadcast v15, $0xD;
	v57 =	vor.u32 v10, v19;
	[tilespmem:v16+s28+$0x0] =	vst.idx.msk $0xffff, v18  }
0x165: {  	v16 =	vor.u32 v14, v57;
	v17 =	vld.idx.msk [tilespmem:v17+s26+$0x0], $0xffff  }
0x166: {  	v18 =	vadd.s32 v13, v58  }
0x167: {  	s18 =	sadd.s32 $0xFFFFFFE0, s17  }
0x168: {  	v59 =	vmov s18  }
0x169: {  	v19 =	vshll.u32 v59, $0x3  }
0x16a: {  	v60 =	vbroadcast v15, $0xE;
	v19 =	vor.u32 v10, v19;
	[tilespmem:v16+s28+$0x0] =	vst.idx.msk $0xffff, v17  }
0x16b: {  	v61 =	vor.u32 v14, v19;
	v18 =	vld.idx.msk [tilespmem:v18+s26+$0x0], $0xffff  }
0x16c: {  	v16 =	vadd.s32 v13, v60  }
0x16d: {  	s19 =	sadd.s32 $0xFFFFFFF0, s17  }
0x16e: {  	v62 =	vmov s19  }
0x16f: {  	v19 =	vshll.u32 v62, $0x3  }
0x170: {  	v15 =	vbroadcast v15, $0xF;
	v19 =	vor.u32 v10, v19;
	[tilespmem:v61+s28+$0x0] =	vst.idx.msk $0xffff, v18  }
0x171: {  	v63 =	vor.u32 v14, v19;
	v16 =	vld.idx.msk [tilespmem:v16+s26+$0x0], $0xffff  }
0x172: {  	v13 =	vadd.s32 v13, v15;
	_ =	sdelay $0x1  }
0x173: {  	v15 =	vmov s17  }
0x174: {  	v15 =	vshll.u32 v15, $0x3  }
0x175: {  	s15 =	sadd.s32 $0x1, s15;
	v15 =	vor.u32 v10, v15;
	[tilespmem:v63+s28+$0x0] =	vst.idx.msk $0xffff, v16  }
0x176: {  	p1 =	sne.s32 s15, s14;
	v14 =	vor.u32 v14, v15;
	v13 =	vld.idx.msk [tilespmem:v13+s26+$0x0], $0xffff  }
.Ltmp1:
0x177: {  	_ = 	snop;
	(pc) =	sbr.rel @p1 .LBB2_3-.Ltmp1, $2  }
0x178: {  	_ =	sdelay $0x2  }
0x179: {  	[tilespmem:v14+s28+$0x0] =	vst.idx.msk $0xffff, v13  }
0x17a: {  	s0 =	sadd.s32 s16, s10;
	s9 =	simm.s32 $0x2040;
	s15 =	simm.s32 $0x20  }
0x17b: {  	[spmem:s0] =	stream.linear.scatter [tilespmem:s9], [sflag:$0x5], $0x2, $0x38;
	[tilespmem:$0x1F040] =	vst v63  }
.LBB2_7:
0x17c: {  	p1 =	sne.s32 s15, $0x3FFE0  }
.Ltmp2:
0x17d: {  	_ = 	snop;
	(pc) =	sbr.rel @p1 .LBB2_7-.Ltmp2, $4  }
0x17e: {  	_ = 	snop  }
0x17f: {  	s9 =	sshra.s32 s15, $0x2;
	s15 =	sadd.s32 $0x20, s15  }
0x180: {  	s0 =	sadd.s32 $0x40, s0;
	s9 =	sadd.s32 $0x2040, s9  }
0x181: {  	[spmem:s0] =	stream.linear.scatter [tilespmem:s9], [sflag:$0x5], $0x2, $0x38;
	[tilespmem:$0x1F040] =	vst v63  }
.Ltmp3:
0x182: {  	(pc) =	sbr.rel @p0 .LBB2_2-.Ltmp3, $4  }
0x183: {  	_ = 	snop  }
0x184: {  	_ =	swait.ge [sflag:s24], $0x4000  }
0x185: {  	s14 =	sadd.s32 $0x2, s14;
	[sflag:s24] =	ssyncset.done $0x0  }
0x186: {  	s16 =	simm.s32 $0x2;
	p1 =	por $0x0, $0x0;
	[sflag:s24] =	ssyncadd.s32 $0xFFFFC000  }
0x187: {  	[bflag:$0x0] =	sbarrier.arrive $0xFFFF  }
0x188: {  	_ =	swait.ge [sflag:s29], $0x1000  }
0x189: {  	[sflag:s29] =	ssyncset.done $0x0  }
0x18a: {  	[sflag:s29] =	ssyncadd.s32 $0xFFFFF000  }
0x18b: {  	[tilespmem:s31], [sflag:$0x1] =	stream.indirect.gather [spmem:s3], $0x40, s25, s30, $0xb8;
	[tilespmem:$0x1F040] =	vst v63  }
0x18c: {  	s12 =	simm.s32 $0x1A0C0  }
0x18d: {  	[tilespmem:s2], [sflag:$0x2] =	stream.indirect.gather [spmem:s3], $0x40, s12, s30, $0xb8;
	[tilespmem:$0x1F040] =	vst v63  }
0x18e: {  	_ =	swait.ge [sflag:s29], $0x2000  }
0x18f: {  	[sflag:s29] =	ssyncset.done $0x0  }
0x190: {  	s0 =	rddreg [dreg:$0x7];
	[sflag:s29] =	ssyncadd.s32 $0xFFFFE000  }
0x191: {  	[hbm4b:s0+s26] =	stream.strided.scatter [tilespmem:s31], [sflag:$0x3], $0x2000, s30, s26, $0x38;
	[tilespmem:$0x1F040] =	vst v63  }
0x192: {  	_ =	swait.ge [sflag:s4], $0x2000  }
0x193: {  	[sflag:s4] =	ssyncset.done $0x0  }
0x194: {  	s17 =	simm.s32 $0x1A140;
	[sflag:s4] =	ssyncadd.s32 $0xFFFFE000  }
0x195: {  	[tilespmem:s31], [sflag:$0x1] =	stream.indirect.gather [spmem:s3], $0x40, s17, s30, $0xb8;
	[tilespmem:$0x1F040] =	vst v63  }
0x196: {  	_ =	swait.ge [sflag:s7], $0x2000  }
0x197: {  	[sflag:s7] =	ssyncset.done $0x0  }
0x198: {  	s18 =	sadd.s32 $0x0, s20;
	[sflag:s7] =	ssyncadd.s32 $0xFFFFE000  }
0x199: {  	[hbm4b:s18+s26] =	stream.strided.scatter [tilespmem:s2], [sflag:$0x4], $0x2000, s30, s26, $0x38;
	[tilespmem:$0x1F040] =	vst v63  }
0x19a: {  	_ =	swait.ge [sflag:s8], $0x2000  }
0x19b: {  	[sflag:s8] =	ssyncset.done $0x0  }
0x19c: {  	s19 =	simm.s32 $0x1A1C0;
	[sflag:s8] =	ssyncadd.s32 $0xFFFFE000  }
0x19d: {  	[tilespmem:s2], [sflag:$0x2] =	stream.indirect.gather [spmem:s3], $0x40, s19, s30, $0xb8;
	[tilespmem:$0x1F040] =	vst v63  }
0x19e: {  	s9 =	sshrl.u32 s21, $0x3;
	_ =	swait.ge [sflag:s29], $0x2000  }
0x19f: {  	s14 =	sadd.s32 $0x8000, s21;
	s15 =	simm.s32 $0x1A2C0;
	[sflag:s29] =	ssyncset.done $0x0  }
0x1a0: {  	s16 =	sadd.s32 s1, s9;
	s0 =	simm.s32 $0x1000;
	[sflag:s29] =	ssyncadd.s32 $0xFFFFE000  }
.LBB2_10:
0x1a1: {  	[hbm4b:s16+s26] =	stream.strided.scatter [tilespmem:s31], [sflag:$0x3], $0x2000, s30, s26, $0x38;
	[tilespmem:$0x1F040] =	vst v63  }
0x1a2: {  	s9 =	smov.u32 s0  }
0x1a3: {  	p0 =	sne.s32 s0, $0xD000;
	s0 =	sadd.s32 $0x1000, s0;
	_ =	swait.ge [sflag:s4], $0x2000  }
0x1a4: {  	[sflag:s4] =	ssyncset.done $0x0  }
0x1a5: {  	s11 =	sadd.s32 $0xFFFFFF80, s15;
	[sflag:s4] =	ssyncadd.s32 $0xFFFFE000  }
0x1a6: {  	[tilespmem:s31], [sflag:$0x1] =	stream.indirect.gather [spmem:s3], $0x40, s11, s30, $0xb8;
	[tilespmem:$0x1F040] =	vst v63  }
0x1a7: {  	_ =	swait.ge [sflag:s7], $0x2000  }
0x1a8: {  	[sflag:s7] =	ssyncset.done $0x0  }
0x1a9: {  	s9 =	sadd.s32 s9, s20;
	[sflag:s7] =	ssyncadd.s32 $0xFFFFE000  }
0x1aa: {  	[hbm4b:s9+s26] =	stream.strided.scatter [tilespmem:s2], [sflag:$0x4], $0x2000, s30, s26, $0x38;
	[tilespmem:$0x1F040] =	vst v63  }
0x1ab: {  	_ =	swait.ge [sflag:s8], $0x2000  }
0x1ac: {  	[sflag:s8] =	ssyncset.done $0x0  }
.Ltmp4:
0x1ad: {  	[sflag:s8] =	ssyncadd.s32 $0xFFFFE000;
	(pc) =	sbr.rel @p0 .LBB2_10-.Ltmp4, $4  }
0x1ae: {  	[tilespmem:s2], [sflag:$0x2] =	stream.indirect.gather [spmem:s3], $0x40, s15, s30, $0xb8;
	[tilespmem:$0x1F040] =	vst v63  }
0x1af: {  	_ =	swait.ge [sflag:s29], $0x2000  }
0x1b0: {  	s9 =	sshrl.u32 s14, $0x3;
	s14 =	sadd.s32 $0x8000, s14;
	[sflag:s29] =	ssyncset.done $0x0  }
0x1b1: {  	s16 =	sadd.s32 s1, s9;
	s15 =	sadd.s32 $0x100, s15;
	[sflag:s29] =	ssyncadd.s32 $0xFFFFE000  }
0x1b2: {  	[hbm4b:s16+s26] =	stream.strided.scatter [tilespmem:s31], [sflag:$0x3], $0x2000, s30, s26, $0x38;
	[tilespmem:$0x1F040] =	vst v63  }
0x1b3: {  	_ =	swait.ge [sflag:s4], $0x2000  }
0x1b4: {  	[sflag:s4] =	ssyncset.done $0x0  }
0x1b5: {  	s16 =	simm.s32 $0x1AF40;
	[sflag:s4] =	ssyncadd.s32 $0xFFFFE000  }
0x1b6: {  	[tilespmem:s31], [sflag:$0x1] =	stream.indirect.gather [spmem:s3], $0x40, s16, s30, $0xb8;
	[tilespmem:$0x1F040] =	vst v63  }
0x1b7: {  	_ =	swait.ge [sflag:s7], $0x2000  }
0x1b8: {  	[sflag:s7] =	ssyncset.done $0x0  }
0x1b9: {  	s0 =	rddreg [dreg:$0x8];
	[sflag:s7] =	ssyncadd.s32 $0xFFFFE000  }
0x1ba: {  	[hbm4b:s0+s26] =	stream.strided.scatter [tilespmem:s2], [sflag:$0x4], $0x2000, s30, s26, $0x38;
	[tilespmem:$0x1F040] =	vst v63  }
0x1bb: {  	_ =	swait.ge [sflag:s8], $0x2000  }
0x1bc: {  	[sflag:s8] =	ssyncset.done $0x0  }
0x1bd: {  	s17 =	simm.s32 $0x1AFC0;
	[sflag:s8] =	ssyncadd.s32 $0xFFFFE000  }
0x1be: {  	[tilespmem:s2], [sflag:$0x2] =	stream.indirect.gather [spmem:s3], $0x40, s17, s30, $0xb8;
	[tilespmem:$0x1F040] =	vst v63  }
0x1bf: {  	_ =	swait.ge [sflag:s29], $0x2000  }
0x1c0: {  	[sflag:s29] =	ssyncset.done $0x0  }
0x1c1: {  	s19 =	rddreg [dreg:$0x9];
	[sflag:s29] =	ssyncadd.s32 $0xFFFFE000  }
0x1c2: {  	[hbm4b:s19+s26] =	stream.strided.scatter [tilespmem:s31], [sflag:$0x3], $0x2000, s30, s26, $0x38;
	[tilespmem:$0x1F040] =	vst v63  }
0x1c3: {  	_ =	swait.ge [sflag:s7], $0x2000  }
0x1c4: {  	[sflag:s7] =	ssyncset.done $0x0  }
0x1c5: {  	s9 =	rddreg [dreg:$0xa];
	[sflag:s7] =	ssyncadd.s32 $0xFFFFE000  }
0x1c6: {  	[hbm4b:s9+s26] =	stream.strided.scatter [tilespmem:s2], [sflag:$0x4], $0x2000, s30, s26, $0x38;
	[tilespmem:$0x1F040] =	vst v63  }
0x1c7: {  	s11 =	simm.s32 $0x0;
	s9 =	rddreg [dreg:$0xb]  }
0x1c8: {  	[tilespmem:s25], [sflag:$0x5] =	stream.linear.gather [hbm4b:s9+s11], $0x1000, $0x38;
	[tilespmem:$0x1F040] =	vst v63  }
0x1c9: {  	_ =	swait.ge [sflag:s24], $0x1000  }
0x1ca: {  	[sflag:s24] =	ssyncset.done $0x0  }
0x1cb: {  	[sflag:s24] =	ssyncadd.s32 $0xFFFFF000  }
0x1cc: {  	_ =	swait.ge [sflag:s4], $0x2000  }
0x1cd: {  	[sflag:s4] =	ssyncset.done $0x0  }
0x1ce: {  	[sflag:s4] =	ssyncadd.s32 $0xFFFFE000  }
0x1cf: {  	[tilespmem:s31], [sflag:$0x1] =	stream.indirect.gather [spmem:s3], $0x40, s25, s30, $0xb8;
	[tilespmem:$0x1F040] =	vst v63  }
0x1d0: {  	_ =	swait.ge [sflag:s8], $0x2000  }
0x1d1: {  	[sflag:s8] =	ssyncset.done $0x0  }
0x1d2: {  	[sflag:s8] =	ssyncadd.s32 $0xFFFFE000  }
0x1d3: {  	[tilespmem:s2], [sflag:$0x2] =	stream.indirect.gather [spmem:s3], $0x40, s12, s30, $0xb8;
	[tilespmem:$0x1F040] =	vst v63  }
0x1d4: {  	_ =	swait.ge [sflag:s29], $0x2000  }
0x1d5: {  	[sflag:s29] =	ssyncset.done $0x0  }
0x1d6: {  	s14 =	rddreg [dreg:$0xc];
	[sflag:s29] =	ssyncadd.s32 $0xFFFFE000  }
0x1d7: {  	[hbm4b:s14+s26] =	stream.strided.scatter [tilespmem:s31], [sflag:$0x3], $0x2000, s30, s26, $0x38;
	[tilespmem:$0x1F040] =	vst v63  }
0x1d8: {  	_ =	swait.ge [sflag:s4], $0x2000  }
0x1d9: {  	[sflag:s4] =	ssyncset.done $0x0  }
0x1da: {  	s15 =	simm.s32 $0x1A140;
	[sflag:s4] =	ssyncadd.s32 $0xFFFFE000  }
0x1db: {  	[tilespmem:s31], [sflag:$0x1] =	stream.indirect.gather [spmem:s3], $0x40, s15, s30, $0xb8;
	[tilespmem:$0x1F040] =	vst v63  }
0x1dc: {  	_ =	swait.ge [sflag:s7], $0x2000  }
0x1dd: {  	[sflag:s7] =	ssyncset.done $0x0  }
0x1de: {  	s18 =	sadd.s32 $0x0, s23;
	[sflag:s7] =	ssyncadd.s32 $0xFFFFE000  }
0x1df: {  	[hbm4b:s18+s26] =	stream.strided.scatter [tilespmem:s2], [sflag:$0x4], $0x2000, s30, s26, $0x38;
	[tilespmem:$0x1F040] =	vst v63  }
0x1e0: {  	_ =	swait.ge [sflag:s8], $0x2000  }
0x1e1: {  	[sflag:s8] =	ssyncset.done $0x0  }
0x1e2: {  	s19 =	simm.s32 $0x1A1C0;
	[sflag:s8] =	ssyncadd.s32 $0xFFFFE000  }
0x1e3: {  	[tilespmem:s2], [sflag:$0x2] =	stream.indirect.gather [spmem:s3], $0x40, s19, s30, $0xb8;
	[tilespmem:$0x1F040] =	vst v63  }
0x1e4: {  	_ =	swait.ge [sflag:s29], $0x2000  }
0x1e5: {  	s0 =	simm.s32 $0x1000;
	[sflag:s29] =	ssyncset.done $0x0  }
0x1e6: {  	s14 =	simm.s32 $0x1A2C0;
	s15 =	sadd.s32 $0x0, s22;
	[sflag:s29] =	ssyncadd.s32 $0xFFFFE000  }
.LBB2_12:
0x1e7: {  	[hbm4b:s15+s26] =	stream.strided.scatter [tilespmem:s31], [sflag:$0x3], $0x2000, s30, s26, $0x38;
	[tilespmem:$0x1F040] =	vst v63  }
0x1e8: {  	s9 =	smov.u32 s0  }
0x1e9: {  	p0 =	sne.s32 s0, $0xD000;
	s0 =	sadd.s32 $0x1000, s0;
	_ =	swait.ge [sflag:s4], $0x2000  }
0x1ea: {  	[sflag:s4] =	ssyncset.done $0x0  }
0x1eb: {  	s11 =	sadd.s32 $0xFFFFFF80, s14;
	[sflag:s4] =	ssyncadd.s32 $0xFFFFE000  }
0x1ec: {  	[tilespmem:s31], [sflag:$0x1] =	stream.indirect.gather [spmem:s3], $0x40, s11, s30, $0xb8;
	[tilespmem:$0x1F040] =	vst v63  }
0x1ed: {  	_ =	swait.ge [sflag:s7], $0x2000  }
0x1ee: {  	[sflag:s7] =	ssyncset.done $0x0  }
0x1ef: {  	s11 =	sadd.s32 s9, s23;
	[sflag:s7] =	ssyncadd.s32 $0xFFFFE000  }
0x1f0: {  	[hbm4b:s11+s26] =	stream.strided.scatter [tilespmem:s2], [sflag:$0x4], $0x2000, s30, s26, $0x38;
	[tilespmem:$0x1F040] =	vst v63  }
0x1f1: {  	_ =	swait.ge [sflag:s8], $0x2000  }
0x1f2: {  	[sflag:s8] =	ssyncset.done $0x0  }
.Ltmp5:
0x1f3: {  	[sflag:s8] =	ssyncadd.s32 $0xFFFFE000;
	(pc) =	sbr.rel @p0 .LBB2_12-.Ltmp5, $4  }
0x1f4: {  	[tilespmem:s2], [sflag:$0x2] =	stream.indirect.gather [spmem:s3], $0x40, s14, s30, $0xb8;
	[tilespmem:$0x1F040] =	vst v63  }
0x1f5: {  	_ =	swait.ge [sflag:s29], $0x2000  }
0x1f6: {  	[sflag:s29] =	ssyncset.done $0x0  }
0x1f7: {  	s15 =	sadd.s32 s9, s22;
	s14 =	sadd.s32 $0x100, s14;
	[sflag:s29] =	ssyncadd.s32 $0xFFFFE000  }
0x1f8: {  	[hbm4b:s15+s26] =	stream.strided.scatter [tilespmem:s31], [sflag:$0x3], $0x2000, s30, s26, $0x38;
	[tilespmem:$0x1F040] =	vst v63  }
0x1f9: {  	_ =	swait.ge [sflag:s4], $0x2000  }
0x1fa: {  	[sflag:s4] =	ssyncset.done $0x0  }
0x1fb: {  	[sflag:s4] =	ssyncadd.s32 $0xFFFFE000  }
0x1fc: {  	[tilespmem:s31], [sflag:$0x1] =	stream.indirect.gather [spmem:s3], $0x40, s16, s30, $0xb8;
	[tilespmem:$0x1F040] =	vst v63  }
0x1fd: {  	_ =	swait.ge [sflag:s7], $0x2000  }
0x1fe: {  	[sflag:s7] =	ssyncset.done $0x0  }
0x1ff: {  	s0 =	rddreg [dreg:$0xd];
	[sflag:s7] =	ssyncadd.s32 $0xFFFFE000  }
0x200: {  	[hbm4b:s0+s26] =	stream.strided.scatter [tilespmem:s2], [sflag:$0x4], $0x2000, s30, s26, $0x38;
	[tilespmem:$0x1F040] =	vst v63  }
0x201: {  	_ =	swait.ge [sflag:s8], $0x2000  }
0x202: {  	[sflag:s8] =	ssyncset.done $0x0  }
0x203: {  	[sflag:s8] =	ssyncadd.s32 $0xFFFFE000  }
0x204: {  	[tilespmem:s2], [sflag:$0x2] =	stream.indirect.gather [spmem:s3], $0x40, s17, s30, $0xb8;
	[tilespmem:$0x1F040] =	vst v63  }
0x205: {  	_ =	swait.ge [sflag:s29], $0x2000  }
0x206: {  	[sflag:s29] =	ssyncset.done $0x0  }
0x207: {  	s17 =	rddreg [dreg:$0xe];
	[sflag:s29] =	ssyncadd.s32 $0xFFFFE000  }
0x208: {  	[hbm4b:s17+s26] =	stream.strided.scatter [tilespmem:s31], [sflag:$0x3], $0x2000, s30, s26, $0x38;
	[tilespmem:$0x1F040] =	vst v63  }
0x209: {  	_ =	swait.ge [sflag:s7], $0x2000  }
0x20a: {  	[sflag:s7] =	ssyncset.done $0x0  }
0x20b: {  	s18 =	rddreg [dreg:$0xf];
	[sflag:s7] =	ssyncadd.s32 $0xFFFFE000  }
0x20c: {  	[hbm4b:s18+s26] =	stream.strided.scatter [tilespmem:s2], [sflag:$0x4], $0x2000, s30, s26, $0x38;
	[tilespmem:$0x1F040] =	vst v63  }
0x20d: {  	_ =	swait.ge [sflag:s4], $0x2000  }
0x20e: {  	[sflag:s4] =	ssyncset.done $0x0  }
0x20f: {  	[sflag:s4] =	ssyncadd.s32 $0xFFFFE000  }
0x210: {  	_ =	swait.ge [sflag:s8], $0x2000  }
0x211: {  	s13 =	sadd.s32 $0x1, s13;
	s19 =	rddreg [dreg:$0x10]  }
0x212: {  	p0 =	sne.s32 s13, s19  }
.Ltmp6:
0x213: {  	_ = 	snop;
	(pc) =	sbr.rel @p0 .LBB2_1-.Ltmp6, $3  }
0x214: {  	_ =	sdelay $0x1  }
0x215: {  	[sflag:s8] =	ssyncset.done $0x0  }
0x216: {  	[sflag:s8] =	ssyncadd.s32 $0xFFFFE000  }
0x217: {  	_ =	sfence.sel $0x180000  }
0x218: {  	[bflag:$0x0] =	sbarrier.arrive $0xFFFF  }
0x219: {  	_ =	strace $0x90000047  }
0x21a: {  	s0 =	stileid.u32;
	[bflag:$0x2] =	sbarrier.arrive $0xFFFF  }
0x21b: {  	p0 =	sne.s32 s0, $0x0;
	s0 =	rddreg [dreg:$0x4]  }
0x21c: {  	s0 =	sadd.s32 @!p0 $0x100000, s0  }
0x21d: {  	[sflag:s0] =	ssyncadd.tile.s32 @!p0 $0x1;
	_ =	shalt  }
.Lfunc_end2:
_tile_overlayer_lowered:
.L_overlay_start_2:
0x21e: {  	(tag) =	ssettag $0x2  }
0x21f: {  	s0 =	rddreg [dreg:$0x0];
	s2 =	stileid.u32  }
0x220: {  	s1 =	rddreg [dreg:$0x1];
	p0 =	sne.s32 s2, $0x0  }
0x221: {  	s3 =	rddreg [dreg:$0x2];
	[bflag:$0x3] =	sbarrier.arrive $0xFFFF;
	s2 =	simm.s32 @!p0 $0x1C05  }
0x222: {  	[timem:s3], [sflag:s2] =	dma.local @!p0 [hbm:s0], s1  }
0x223: {  	s0 =	simm.s32 @!p0 $0x5  }
0x224: {  	_ =	swait.ge @!p0 [sflag:s0], s1  }
0x225: {  	s1 =	ssub.s32 @!p0 $0x0, s1;
	[sflag:s0] =	ssyncset.done @!p0 $0x0  }
0x226: {  	[sflag:s0] =	ssyncadd.s32 @!p0 s1  }
0x227: {  	[bflag:$0x3] =	sbarrier.arrive $0xFFFF  }
0x228: {  	_ =	shalt  }

</sc_bundles>
